<compile_context>
chip_gen: v7x
topology: tpu7x:2x2x1
jax: 0.10.2.dev20260603
libtpu: 0.0.44.dev20260713+nightly
codegen_flags: <defaults>
</compile_context>

<pallas_src>
import functools

import jax
import jax.numpy as jnp
from jax import lax
from jax.experimental import pallas as pl
from jax.experimental.pallas import tpu as pltpu
from jax.experimental.pallas import tpu_sc as plsc

_N_FIELDS = 26
_VOCAB = 100000
_EDIM = 32
_BATCH = 16384
_NW = 32
_NPLANES = _N_FIELDS * _EDIM
_PLANES_PER_W = _NPLANES // _NW
_LANES = 16
_UNROLL = 16
_BCHUNK = 4096
_NB = _BATCH // _BCHUNK

_mesh = plsc.VectorSubcoreMesh(core_axis_name="c", subcore_axis_name="s")


@functools.partial(
    pl.kernel,
    mesh=_mesh,
    out_type=jax.ShapeDtypeStruct((_NPLANES, _BATCH), jnp.float32),
    compiler_params=pltpu.CompilerParams(
        use_tc_tiling_on_sc=True, needs_layout_passes=False
    ),
    scratch_types=[
        pltpu.VMEM((_VOCAB,), jnp.float32),
        pltpu.VMEM((_BCHUNK,), jnp.int32),
        pltpu.VMEM((_BCHUNK,), jnp.int32),
        pltpu.VMEM((_BCHUNK,), jnp.float32),
        pltpu.VMEM((_BCHUNK,), jnp.float32),
        pltpu.SemaphoreType.DMA,
        pltpu.SemaphoreType.DMA,
        pltpu.SemaphoreType.DMA,
        pltpu.SemaphoreType.DMA,
    ],
)
def _mk_gather(
    xt_hbm, tt_hbm, out_hbm, plane_v, xa, xb, ra, rb, sxa, sxb, sra, srb
):
    wid = lax.axis_index("s") * 2 + lax.axis_index("c")
    xbufs, xsems = (xa, xb), (sxa, sxb)
    rbufs, rsems = (ra, rb), (sra, srb)

    def do_plane(j, carry):
        c = wid * _PLANES_PER_W + j
        f = c // _EDIM
        e = lax.rem(c, _EDIM)
        hx = pltpu.async_copy(xt_hbm.at[f, pl.ds(0, _BCHUNK)], xbufs[0], xsems[0])
        pltpu.sync_copy(tt_hbm.at[f, e], plane_v)

        row_handles = [None, None]
        for b in range(_NB):
            hx.wait()
            if b + 1 < _NB:
                hx = pltpu.async_copy(
                    xt_hbm.at[f, pl.ds((b + 1) * _BCHUNK, _BCHUNK)],
                    xbufs[(b + 1) % 2],
                    xsems[(b + 1) % 2],
                )
            if row_handles[b % 2] is not None:
                row_handles[b % 2].wait()
            xv = xbufs[b % 2]
            row_v = rbufs[b % 2]

            def gather_group(i, carry3, xv=xv, row_v=row_v):
                base = i * (_LANES * _UNROLL)
                for k in range(_UNROLL):
                    o = base + k * _LANES
                    idx = xv[pl.ds(o, _LANES)]
                    row_v[pl.ds(o, _LANES)] = plsc.load_gather(plane_v, [idx])
                return carry3

            lax.fori_loop(0, _BCHUNK // (_LANES * _UNROLL), gather_group, 0)
            row_handles[b % 2] = pltpu.async_copy(
                row_v,
                out_hbm.at[c, pl.ds(b * _BCHUNK, _BCHUNK)],
                rsems[b % 2],
            )
        row_handles[0].wait()
        row_handles[1].wait()
        return carry

    lax.fori_loop(0, _PLANES_PER_W, do_plane, 0)


def kernel(x, tables):
    xt = x.T
    tt = tables.transpose(0, 2, 1)
    out = _mk_gather(xt, tt)
    return out.T

# --- scband reference (transcript-rebuilt; emitter-appended) ---
"""Pipeline reference for scband-multi-embeddingreduced-52020643889377 (READ-ONLY COPY).

The authoritative reference and input builder live on the scoring server;
editing this copy changes nothing except your own understanding.
"""

import jax, jax.numpy as jnp
import numpy as np

N_FIELDS = 26
VOCAB = 100000
EDIM = 32
BATCH = 16384


def setup_inputs(seed: int = 0) -> dict:
    key = jax.random.key(seed)
    k_idx, k_tab = jax.random.split(key)
    x = jax.random.randint(k_idx, (BATCH, N_FIELDS), 0, VOCAB, dtype=jnp.int32)
    # 26 embedding tables of identical shape [VOCAB, EDIM], stacked along axis 0
    tables = jax.random.normal(k_tab, (N_FIELDS, VOCAB, EDIM), dtype=jnp.float32) * 0.02
    return {"x": x, "tables": tables}


def reference(x, tables):
    # For each field i: tables[i][x[:, i]] -> [BATCH, EDIM]; then concat along last dim.
    gathered = jax.vmap(lambda t, idx: jnp.take(t, idx, axis=0), in_axes=(0, 1), out_axes=1)(tables, x)
    # gathered: [BATCH, N_FIELDS, EDIM]; reshape == torch.cat(..., dim=-1) ordering
    return gathered.reshape(x.shape[0], N_FIELDS * EDIM)

if __name__ == "__main__":
    import jax
    _d = setup_inputs()
    print(jax.jit(kernel)(*tuple(_d.values())))

</pallas_src>

<mosaic_0001>
#map = affine_map<(d0, d1) -> (0, 0)>
#map1 = affine_map<(d0, d1) -> (0, 0, 0)>
module attributes {stable_mosaic.version = 14 : i64} {
  func.func @_mk_gather(%arg0: i32, %arg1: i32, %arg2: memref<26x16384xi32, #tpu.memory_space<hbm>>, %arg3: memref<26x32x100000xf32, #tpu.memory_space<hbm>>, %arg4: memref<832x16384xf32, #tpu.memory_space<hbm>>, %arg5: memref<100000xf32, #tpu.memory_space<vmem>>, %arg6: memref<4096xi32, #tpu.memory_space<vmem>>, %arg7: memref<4096xi32, #tpu.memory_space<vmem>>, %arg8: memref<4096xf32, #tpu.memory_space<vmem>>, %arg9: memref<4096xf32, #tpu.memory_space<vmem>>, %arg10: memref<!tpu.dma_semaphore, #tpu.memory_space<semaphore_mem>>, %arg11: memref<!tpu.dma_semaphore, #tpu.memory_space<semaphore_mem>>, %arg12: memref<!tpu.dma_semaphore, #tpu.memory_space<semaphore_mem>>, %arg13: memref<!tpu.dma_semaphore, #tpu.memory_space<semaphore_mem>>) attributes {dimension_semantics = [#tpu.dimension_semantics<core_parallel>, #tpu.dimension_semantics<subcore_parallel>], iteration_bounds = array<i64: 2, 16>, scalar_prefetch = 0 : i64, scratch_operands = 9 : i64, tpu.core_type = #tpu.core_type<sc_vector_subcore>, window_params = [{transform_indices = #map}, {transform_indices = #map1}, {transform_indices = #map}]} {
    %mul3A = arith.constant 2 : i32
    %mul3A_0 = arith.muli %arg1, %mul3A : i32
    %add3A = arith.addi %mul3A_0, %arg0 : i32
    %scan3A = arith.constant 0 : i32
    %scan3A_1 = arith.constant 0 : i32
    %scan3A_2 = arith.constant 26 : i32
    %scan3A_3 = arith.addi %scan3A_1, %scan3A_2 : i32
    %scan3A_4 = arith.constant 1 : i32
    scf.for %scan3A_6 = %scan3A_1 to %scan3A_3 step %scan3A_4  : i32 {
      %mul3A_7 = arith.constant 26 : i32
      %mul3A_8 = arith.muli %add3A, %mul3A_7 : i32
      %add3A_9 = arith.addi %mul3A_8, %scan3A_6 : i32
      %jit3A = arith.constant 32 : i32
      %div3A = arith.divsi %add3A_9, %jit3A : i32
      %sign3A = arith.constant 0 : i32
      %sign3A_10 = arith.cmpi sgt, %add3A_9, %sign3A : i32
      %sign3A_11 = arith.extui %sign3A_10 : i1 to i32
      %sign3A_12 = arith.constant 0 : i32
      %sign3A_13 = arith.cmpi slt, %add3A_9, %sign3A_12 : i32
      %sign3A_14 = arith.extui %sign3A_13 : i1 to i32
      %sign3A_15 = arith.subi %sign3A_11, %sign3A_14 : i32
      %sign3A_16 = arith.constant 0 : i32
      %sign3A_17 = arith.cmpi sgt, %jit3A, %sign3A_16 : i32
      %sign3A_18 = arith.extui %sign3A_17 : i1 to i32
      %sign3A_19 = arith.constant 0 : i32
      %sign3A_20 = arith.cmpi slt, %jit3A, %sign3A_19 : i32
      %sign3A_21 = arith.extui %sign3A_20 : i1 to i32
      %sign3A_22 = arith.subi %sign3A_18, %sign3A_21 : i32
      %ne3A = arith.cmpi ne, %sign3A_15, %sign3A_22 : i32
      %rem3A = arith.remsi %add3A_9, %jit3A : i32
      %ne3A_23 = arith.constant 0 : i32
      %ne3A_24 = arith.cmpi ne, %rem3A, %ne3A_23 : i32
      %and3A = arith.andi %ne3A, %ne3A_24 : i1
      %sub3A = arith.constant 1 : i32
      %sub3A_25 = arith.subi %div3A, %sub3A : i32
      %select_n3A = arith.select %and3A, %sub3A_25, %div3A : i32
      %rem3A_26 = arith.constant 32 : i32
      %rem3A_27 = arith.remsi %add3A_9, %rem3A_26 : i32
      %dma_start3A = arith.constant 0 : i32
      %dma_start3A_28 = tpu.memref_slice %arg2[%select_n3A, %dma_start3A] : memref<26x16384xi32, #tpu.memory_space<hbm>> -> memref<1x4096xi32, #tpu.memory_space<hbm>>
      %dma_start3A_29 = tpu.memref_squeeze %dma_start3A_28 : memref<1x4096xi32, #tpu.memory_space<hbm>> -> memref<4096xi32, #tpu.memory_space<hbm>>
      %dma_start3A_30 = arith.constant 0 : i32
      %dma_start3A_31 = tpu.memref_slice %arg2[%select_n3A, %dma_start3A_30] : memref<26x16384xi32, #tpu.memory_space<hbm>> -> memref<1x4096xi32, #tpu.memory_space<hbm>>
      %dma_start3A_32 = tpu.memref_squeeze %dma_start3A_31 : memref<1x4096xi32, #tpu.memory_space<hbm>> -> memref<4096xi32, #tpu.memory_space<hbm>>
      tpu.enqueue_dma source(%dma_start3A_32 : memref<4096xi32, #tpu.memory_space<hbm>>) target(%arg6 : memref<4096xi32, #tpu.memory_space<vmem>>) target_semaphore(%arg10 : memref<!tpu.dma_semaphore, #tpu.memory_space<semaphore_mem>>)
      "tpu.region"() ({
        %run_scoped3A = tpu.sem_alloc : memref<!tpu.dma_semaphore, #tpu.memory_space<semaphore_mem>>
        %dma_start3A_146 = arith.constant 0 : i32
        %dma_start3A_147 = tpu.memref_slice %arg3[%select_n3A, %rem3A_27, %dma_start3A_146] : memref<26x32x100000xf32, #tpu.memory_space<hbm>> -> memref<1x1x100000xf32, #tpu.memory_space<hbm>>
        %dma_start3A_148 = tpu.memref_squeeze %dma_start3A_147 : memref<1x1x100000xf32, #tpu.memory_space<hbm>> -> memref<100000xf32, #tpu.memory_space<hbm>>
        %dma_start3A_149 = arith.constant 0 : i32
        %dma_start3A_150 = tpu.memref_slice %arg3[%select_n3A, %rem3A_27, %dma_start3A_149] : memref<26x32x100000xf32, #tpu.memory_space<hbm>> -> memref<1x1x100000xf32, #tpu.memory_space<hbm>>
        %dma_start3A_151 = tpu.memref_squeeze %dma_start3A_150 : memref<1x1x100000xf32, #tpu.memory_space<hbm>> -> memref<100000xf32, #tpu.memory_space<hbm>>
        tpu.enqueue_dma source(%dma_start3A_151 : memref<100000xf32, #tpu.memory_space<hbm>>) target(%arg5 : memref<100000xf32, #tpu.memory_space<vmem>>) target_semaphore(%run_scoped3A : memref<!tpu.dma_semaphore, #tpu.memory_space<semaphore_mem>>)
        %dma_wait3A_152 = arith.constant 0 : i32
        %dma_wait3A_153 = tpu.memref_slice %arg3[%select_n3A, %rem3A_27, %dma_wait3A_152] : memref<26x32x100000xf32, #tpu.memory_space<hbm>> -> memref<1x1x100000xf32, #tpu.memory_space<hbm>>
        %dma_wait3A_154 = tpu.memref_squeeze %dma_wait3A_153 : memref<1x1x100000xf32, #tpu.memory_space<hbm>> -> memref<100000xf32, #tpu.memory_space<hbm>>
        %dma_wait3A_155 = arith.constant 0 : i32
        %dma_wait3A_156 = tpu.memref_slice %arg3[%select_n3A, %rem3A_27, %dma_wait3A_155] : memref<26x32x100000xf32, #tpu.memory_space<hbm>> -> memref<1x1x100000xf32, #tpu.memory_space<hbm>>
        %dma_wait3A_157 = tpu.memref_squeeze %dma_wait3A_156 : memref<1x1x100000xf32, #tpu.memory_space<hbm>> -> memref<100000xf32, #tpu.memory_space<hbm>>
        tpu.wait_dma2 semaphore(%run_scoped3A : memref<!tpu.dma_semaphore, #tpu.memory_space<semaphore_mem>>) src(%dma_wait3A_157 : memref<100000xf32, #tpu.memory_space<hbm>>) dst(%arg5 : memref<100000xf32, #tpu.memory_space<vmem>>)
        tpu.yield
      }) : () -> ()
      %dma_wait3A = arith.constant 0 : i32
      %dma_wait3A_33 = tpu.memref_slice %arg2[%select_n3A, %dma_wait3A] : memref<26x16384xi32, #tpu.memory_space<hbm>> -> memref<1x4096xi32, #tpu.memory_space<hbm>>
      %dma_wait3A_34 = tpu.memref_squeeze %dma_wait3A_33 : memref<1x4096xi32, #tpu.memory_space<hbm>> -> memref<4096xi32, #tpu.memory_space<hbm>>
      %dma_wait3A_35 = arith.constant 0 : i32
      %dma_wait3A_36 = tpu.memref_slice %arg2[%select_n3A, %dma_wait3A_35] : memref<26x16384xi32, #tpu.memory_space<hbm>> -> memref<1x4096xi32, #tpu.memory_space<hbm>>
      %dma_wait3A_37 = tpu.memref_squeeze %dma_wait3A_36 : memref<1x4096xi32, #tpu.memory_space<hbm>> -> memref<4096xi32, #tpu.memory_space<hbm>>
      tpu.wait_dma2 semaphore(%arg10 : memref<!tpu.dma_semaphore, #tpu.memory_space<semaphore_mem>>) src(%dma_wait3A_37 : memref<4096xi32, #tpu.memory_space<hbm>>) dst(%arg6 : memref<4096xi32, #tpu.memory_space<vmem>>)
      %dma_start3A_38 = arith.constant 4096 : i32
      %dma_start3A_39 = tpu.memref_slice %arg2[%select_n3A, %dma_start3A_38] : memref<26x16384xi32, #tpu.memory_space<hbm>> -> memref<1x4096xi32, #tpu.memory_space<hbm>>
      %dma_start3A_40 = tpu.memref_squeeze %dma_start3A_39 : memref<1x4096xi32, #tpu.memory_space<hbm>> -> memref<4096xi32, #tpu.memory_space<hbm>>
      %dma_start3A_41 = arith.constant 4096 : i32
      %dma_start3A_42 = tpu.memref_slice %arg2[%select_n3A, %dma_start3A_41] : memref<26x16384xi32, #tpu.memory_space<hbm>> -> memref<1x4096xi32, #tpu.memory_space<hbm>>
      %dma_start3A_43 = tpu.memref_squeeze %dma_start3A_42 : memref<1x4096xi32, #tpu.memory_space<hbm>> -> memref<4096xi32, #tpu.memory_space<hbm>>
      tpu.enqueue_dma source(%dma_start3A_43 : memref<4096xi32, #tpu.memory_space<hbm>>) target(%arg7 : memref<4096xi32, #tpu.memory_space<vmem>>) target_semaphore(%arg11 : memref<!tpu.dma_semaphore, #tpu.memory_space<semaphore_mem>>)
      %scan3A_44 = arith.constant 0 : i32
      %scan3A_45 = arith.constant 0 : i32
      %scan3A_46 = arith.constant 16 : i32
      %scan3A_47 = arith.addi %scan3A_45, %scan3A_46 : i32
      %scan3A_48 = arith.constant 1 : i32
      scf.for %scan3A_146 = %scan3A_45 to %scan3A_47 step %scan3A_48  : i32 {
        %mul3A_147 = arith.constant 256 : i32
        %mul3A_148 = arith.muli %scan3A_146, %mul3A_147 : i32
        %add3A_149 = arith.constant 0 : i32
        %add3A_150 = arith.addi %mul3A_148, %add3A_149 : i32
        %get3A = arith.index_cast %add3A_150 : i32 to index
        %get3A_151 = tpu.vector_load %arg6[%get3A] {strides = array<i32>} : memref<4096xi32, #tpu.memory_space<vmem>>, vector<16xi32>,
        %gather3A = tpu.vector_load_idx %arg5[%get3A_151] : memref<100000xf32, #tpu.memory_space<vmem>>[vector<16xi32>], vector<16xf32>,
        %swap3A = arith.index_cast %add3A_150 : i32 to index
        %swap3A_152 = tpu.vector_load %arg8[%swap3A] {strides = array<i32>} : memref<4096xf32, #tpu.memory_space<vmem>>, vector<16xf32>,
        tpu.vector_store %arg8[%swap3A], %gather3A {strides = array<i32>} : memref<4096xf32, #tpu.memory_space<vmem>>, vector<16xf32>,
        %add3A_153 = arith.constant 16 : i32
        %add3A_154 = arith.addi %mul3A_148, %add3A_153 : i32
        %get3A_155 = arith.index_cast %add3A_154 : i32 to index
        %get3A_156 = tpu.vector_load %arg6[%get3A_155] {strides = array<i32>} : memref<4096xi32, #tpu.memory_space<vmem>>, vector<16xi32>,
        %gather3A_157 = tpu.vector_load_idx %arg5[%get3A_156] : memref<100000xf32, #tpu.memory_space<vmem>>[vector<16xi32>], vector<16xf32>,
        %swap3A_158 = arith.index_cast %add3A_154 : i32 to index
        %swap3A_159 = tpu.vector_load %arg8[%swap3A_158] {strides = array<i32>} : memref<4096xf32, #tpu.memory_space<vmem>>, vector<16xf32>,
        tpu.vector_store %arg8[%swap3A_158], %gather3A_157 {strides = array<i32>} : memref<4096xf32, #tpu.memory_space<vmem>>, vector<16xf32>,
        %add3A_160 = arith.constant 32 : i32
        %add3A_161 = arith.addi %mul3A_148, %add3A_160 : i32
        %get3A_162 = arith.index_cast %add3A_161 : i32 to index
        %get3A_163 = tpu.vector_load %arg6[%get3A_162] {strides = array<i32>} : memref<4096xi32, #tpu.memory_space<vmem>>, vector<16xi32>,
        %gather3A_164 = tpu.vector_load_idx %arg5[%get3A_163] : memref<100000xf32, #tpu.memory_space<vmem>>[vector<16xi32>], vector<16xf32>,
        %swap3A_165 = arith.index_cast %add3A_161 : i32 to index
        %swap3A_166 = tpu.vector_load %arg8[%swap3A_165] {strides = array<i32>} : memref<4096xf32, #tpu.memory_space<vmem>>, vector<16xf32>,
        tpu.vector_store %arg8[%swap3A_165], %gather3A_164 {strides = array<i32>} : memref<4096xf32, #tpu.memory_space<vmem>>, vector<16xf32>,
        %add3A_167 = arith.constant 48 : i32
        %add3A_168 = arith.addi %mul3A_148, %add3A_167 : i32
        %get3A_169 = arith.index_cast %add3A_168 : i32 to index
        %get3A_170 = tpu.vector_load %arg6[%get3A_169] {strides = array<i32>} : memref<4096xi32, #tpu.memory_space<vmem>>, vector<16xi32>,
        %gather3A_171 = tpu.vector_load_idx %arg5[%get3A_170] : memref<100000xf32, #tpu.memory_space<vmem>>[vector<16xi32>], vector<16xf32>,
        %swap3A_172 = arith.index_cast %add3A_168 : i32 to index
        %swap3A_173 = tpu.vector_load %arg8[%swap3A_172] {strides = array<i32>} : memref<4096xf32, #tpu.memory_space<vmem>>, vector<16xf32>,
        tpu.vector_store %arg8[%swap3A_172], %gather3A_171 {strides = array<i32>} : memref<4096xf32, #tpu.memory_space<vmem>>, vector<16xf32>,
        %add3A_174 = arith.constant 64 : i32
        %add3A_175 = arith.addi %mul3A_148, %add3A_174 : i32
        %get3A_176 = arith.index_cast %add3A_175 : i32 to index
        %get3A_177 = tpu.vector_load %arg6[%get3A_176] {strides = array<i32>} : memref<4096xi32, #tpu.memory_space<vmem>>, vector<16xi32>,
        %gather3A_178 = tpu.vector_load_idx %arg5[%get3A_177] : memref<100000xf32, #tpu.memory_space<vmem>>[vector<16xi32>], vector<16xf32>,
        %swap3A_179 = arith.index_cast %add3A_175 : i32 to index
        %swap3A_180 = tpu.vector_load %arg8[%swap3A_179] {strides = array<i32>} : memref<4096xf32, #tpu.memory_space<vmem>>, vector<16xf32>,
        tpu.vector_store %arg8[%swap3A_179], %gather3A_178 {strides = array<i32>} : memref<4096xf32, #tpu.memory_space<vmem>>, vector<16xf32>,
        %add3A_181 = arith.constant 80 : i32
        %add3A_182 = arith.addi %mul3A_148, %add3A_181 : i32
        %get3A_183 = arith.index_cast %add3A_182 : i32 to index
        %get3A_184 = tpu.vector_load %arg6[%get3A_183] {strides = array<i32>} : memref<4096xi32, #tpu.memory_space<vmem>>, vector<16xi32>,
        %gather3A_185 = tpu.vector_load_idx %arg5[%get3A_184] : memref<100000xf32, #tpu.memory_space<vmem>>[vector<16xi32>], vector<16xf32>,
        %swap3A_186 = arith.index_cast %add3A_182 : i32 to index
        %swap3A_187 = tpu.vector_load %arg8[%swap3A_186] {strides = array<i32>} : memref<4096xf32, #tpu.memory_space<vmem>>, vector<16xf32>,
        tpu.vector_store %arg8[%swap3A_186], %gather3A_185 {strides = array<i32>} : memref<4096xf32, #tpu.memory_space<vmem>>, vector<16xf32>,
        %add3A_188 = arith.constant 96 : i32
        %add3A_189 = arith.addi %mul3A_148, %add3A_188 : i32
        %get3A_190 = arith.index_cast %add3A_189 : i32 to index
        %get3A_191 = tpu.vector_load %arg6[%get3A_190] {strides = array<i32>} : memref<4096xi32, #tpu.memory_space<vmem>>, vector<16xi32>,
        %gather3A_192 = tpu.vector_load_idx %arg5[%get3A_191] : memref<100000xf32, #tpu.memory_space<vmem>>[vector<16xi32>], vector<16xf32>,
        %swap3A_193 = arith.index_cast %add3A_189 : i32 to index
        %swap3A_194 = tpu.vector_load %arg8[%swap3A_193] {strides = array<i32>} : memref<4096xf32, #tpu.memory_space<vmem>>, vector<16xf32>,
        tpu.vector_store %arg8[%swap3A_193], %gather3A_192 {strides = array<i32>} : memref<4096xf32, #tpu.memory_space<vmem>>, vector<16xf32>,
        %add3A_195 = arith.constant 112 : i32
        %add3A_196 = arith.addi %mul3A_148, %add3A_195 : i32
        %get3A_197 = arith.index_cast %add3A_196 : i32 to index
        %get3A_198 = tpu.vector_load %arg6[%get3A_197] {strides = array<i32>} : memref<4096xi32, #tpu.memory_space<vmem>>, vector<16xi32>,
        %gather3A_199 = tpu.vector_load_idx %arg5[%get3A_198] : memref<100000xf32, #tpu.memory_space<vmem>>[vector<16xi32>], vector<16xf32>,
        %swap3A_200 = arith.index_cast %add3A_196 : i32 to index
        %swap3A_201 = tpu.vector_load %arg8[%swap3A_200] {strides = array<i32>} : memref<4096xf32, #tpu.memory_space<vmem>>, vector<16xf32>,
        tpu.vector_store %arg8[%swap3A_200], %gather3A_199 {strides = array<i32>} : memref<4096xf32, #tpu.memory_space<vmem>>, vector<16xf32>,
        %add3A_202 = arith.constant 128 : i32
        %add3A_203 = arith.addi %mul3A_148, %add3A_202 : i32
        %get3A_204 = arith.index_cast %add3A_203 : i32 to index
        %get3A_205 = tpu.vector_load %arg6[%get3A_204] {strides = array<i32>} : memref<4096xi32, #tpu.memory_space<vmem>>, vector<16xi32>,
        %gather3A_206 = tpu.vector_load_idx %arg5[%get3A_205] : memref<100000xf32, #tpu.memory_space<vmem>>[vector<16xi32>], vector<16xf32>,
        %swap3A_207 = arith.index_cast %add3A_203 : i32 to index
        %swap3A_208 = tpu.vector_load %arg8[%swap3A_207] {strides = array<i32>} : memref<4096xf32, #tpu.memory_space<vmem>>, vector<16xf32>,
        tpu.vector_store %arg8[%swap3A_207], %gather3A_206 {strides = array<i32>} : memref<4096xf32, #tpu.memory_space<vmem>>, vector<16xf32>,
        %add3A_209 = arith.constant 144 : i32
        %add3A_210 = arith.addi %mul3A_148, %add3A_209 : i32
        %get3A_211 = arith.index_cast %add3A_210 : i32 to index
        %get3A_212 = tpu.vector_load %arg6[%get3A_211] {strides = array<i32>} : memref<4096xi32, #tpu.memory_space<vmem>>, vector<16xi32>,
        %gather3A_213 = tpu.vector_load_idx %arg5[%get3A_212] : memref<100000xf32, #tpu.memory_space<vmem>>[vector<16xi32>], vector<16xf32>,
        %swap3A_214 = arith.index_cast %add3A_210 : i32 to index
        %swap3A_215 = tpu.vector_load %arg8[%swap3A_214] {strides = array<i32>} : memref<4096xf32, #tpu.memory_space<vmem>>, vector<16xf32>,
        tpu.vector_store %arg8[%swap3A_214], %gather3A_213 {strides = array<i32>} : memref<4096xf32, #tpu.memory_space<vmem>>, vector<16xf32>,
        %add3A_216 = arith.constant 160 : i32
        %add3A_217 = arith.addi %mul3A_148, %add3A_216 : i32
        %get3A_218 = arith.index_cast %add3A_217 : i32 to index
        %get3A_219 = tpu.vector_load %arg6[%get3A_218] {strides = array<i32>} : memref<4096xi32, #tpu.memory_space<vmem>>, vector<16xi32>,
        %gather3A_220 = tpu.vector_load_idx %arg5[%get3A_219] : memref<100000xf32, #tpu.memory_space<vmem>>[vector<16xi32>], vector<16xf32>,
        %swap3A_221 = arith.index_cast %add3A_217 : i32 to index
        %swap3A_222 = tpu.vector_load %arg8[%swap3A_221] {strides = array<i32>} : memref<4096xf32, #tpu.memory_space<vmem>>, vector<16xf32>,
        tpu.vector_store %arg8[%swap3A_221], %gather3A_220 {strides = array<i32>} : memref<4096xf32, #tpu.memory_space<vmem>>, vector<16xf32>,
        %add3A_223 = arith.constant 176 : i32
        %add3A_224 = arith.addi %mul3A_148, %add3A_223 : i32
        %get3A_225 = arith.index_cast %add3A_224 : i32 to index
        %get3A_226 = tpu.vector_load %arg6[%get3A_225] {strides = array<i32>} : memref<4096xi32, #tpu.memory_space<vmem>>, vector<16xi32>,
        %gather3A_227 = tpu.vector_load_idx %arg5[%get3A_226] : memref<100000xf32, #tpu.memory_space<vmem>>[vector<16xi32>], vector<16xf32>,
        %swap3A_228 = arith.index_cast %add3A_224 : i32 to index
        %swap3A_229 = tpu.vector_load %arg8[%swap3A_228] {strides = array<i32>} : memref<4096xf32, #tpu.memory_space<vmem>>, vector<16xf32>,
        tpu.vector_store %arg8[%swap3A_228], %gather3A_227 {strides = array<i32>} : memref<4096xf32, #tpu.memory_space<vmem>>, vector<16xf32>,
        %add3A_230 = arith.constant 192 : i32
        %add3A_231 = arith.addi %mul3A_148, %add3A_230 : i32
        %get3A_232 = arith.index_cast %add3A_231 : i32 to index
        %get3A_233 = tpu.vector_load %arg6[%get3A_232] {strides = array<i32>} : memref<4096xi32, #tpu.memory_space<vmem>>, vector<16xi32>,
        %gather3A_234 = tpu.vector_load_idx %arg5[%get3A_233] : memref<100000xf32, #tpu.memory_space<vmem>>[vector<16xi32>], vector<16xf32>,
        %swap3A_235 = arith.index_cast %add3A_231 : i32 to index
        %swap3A_236 = tpu.vector_load %arg8[%swap3A_235] {strides = array<i32>} : memref<4096xf32, #tpu.memory_space<vmem>>, vector<16xf32>,
        tpu.vector_store %arg8[%swap3A_235], %gather3A_234 {strides = array<i32>} : memref<4096xf32, #tpu.memory_space<vmem>>, vector<16xf32>,
        %add3A_237 = arith.constant 208 : i32
        %add3A_238 = arith.addi %mul3A_148, %add3A_237 : i32
        %get3A_239 = arith.index_cast %add3A_238 : i32 to index
        %get3A_240 = tpu.vector_load %arg6[%get3A_239] {strides = array<i32>} : memref<4096xi32, #tpu.memory_space<vmem>>, vector<16xi32>,
        %gather3A_241 = tpu.vector_load_idx %arg5[%get3A_240] : memref<100000xf32, #tpu.memory_space<vmem>>[vector<16xi32>], vector<16xf32>,
        %swap3A_242 = arith.index_cast %add3A_238 : i32 to index
        %swap3A_243 = tpu.vector_load %arg8[%swap3A_242] {strides = array<i32>} : memref<4096xf32, #tpu.memory_space<vmem>>, vector<16xf32>,
        tpu.vector_store %arg8[%swap3A_242], %gather3A_241 {strides = array<i32>} : memref<4096xf32, #tpu.memory_space<vmem>>, vector<16xf32>,
        %add3A_244 = arith.constant 224 : i32
        %add3A_245 = arith.addi %mul3A_148, %add3A_244 : i32
        %get3A_246 = arith.index_cast %add3A_245 : i32 to index
        %get3A_247 = tpu.vector_load %arg6[%get3A_246] {strides = array<i32>} : memref<4096xi32, #tpu.memory_space<vmem>>, vector<16xi32>,
        %gather3A_248 = tpu.vector_load_idx %arg5[%get3A_247] : memref<100000xf32, #tpu.memory_space<vmem>>[vector<16xi32>], vector<16xf32>,
        %swap3A_249 = arith.index_cast %add3A_245 : i32 to index
        %swap3A_250 = tpu.vector_load %arg8[%swap3A_249] {strides = array<i32>} : memref<4096xf32, #tpu.memory_space<vmem>>, vector<16xf32>,
        tpu.vector_store %arg8[%swap3A_249], %gather3A_248 {strides = array<i32>} : memref<4096xf32, #tpu.memory_space<vmem>>, vector<16xf32>,
        %add3A_251 = arith.constant 240 : i32
        %add3A_252 = arith.addi %mul3A_148, %add3A_251 : i32
        %get3A_253 = arith.index_cast %add3A_252 : i32 to index
        %get3A_254 = tpu.vector_load %arg6[%get3A_253] {strides = array<i32>} : memref<4096xi32, #tpu.memory_space<vmem>>, vector<16xi32>,
        %gather3A_255 = tpu.vector_load_idx %arg5[%get3A_254] : memref<100000xf32, #tpu.memory_space<vmem>>[vector<16xi32>], vector<16xf32>,
        %swap3A_256 = arith.index_cast %add3A_252 : i32 to index
        %swap3A_257 = tpu.vector_load %arg8[%swap3A_256] {strides = array<i32>} : memref<4096xf32, #tpu.memory_space<vmem>>, vector<16xf32>,
        tpu.vector_store %arg8[%swap3A_256], %gather3A_255 {strides = array<i32>} : memref<4096xf32, #tpu.memory_space<vmem>>, vector<16xf32>,
      }
      %scan3A_49 = arith.constant 16 : i32
      %dma_start3A_50 = arith.constant 0 : i32
      %dma_start3A_51 = tpu.memref_slice %arg4[%add3A_9, %dma_start3A_50] : memref<832x16384xf32, #tpu.memory_space<hbm>> -> memref<1x4096xf32, #tpu.memory_space<hbm>>
      %dma_start3A_52 = tpu.memref_squeeze %dma_start3A_51 : memref<1x4096xf32, #tpu.memory_space<hbm>> -> memref<4096xf32, #tpu.memory_space<hbm>>
      %dma_start3A_53 = arith.constant 0 : i32
      %dma_start3A_54 = tpu.memref_slice %arg4[%add3A_9, %dma_start3A_53] : memref<832x16384xf32, #tpu.memory_space<hbm>> -> memref<1x4096xf32, #tpu.memory_space<hbm>>
      %dma_start3A_55 = tpu.memref_squeeze %dma_start3A_54 : memref<1x4096xf32, #tpu.memory_space<hbm>> -> memref<4096xf32, #tpu.memory_space<hbm>>
      tpu.enqueue_dma source(%arg8 : memref<4096xf32, #tpu.memory_space<vmem>>) target(%dma_start3A_55 : memref<4096xf32, #tpu.memory_space<hbm>>) target_semaphore(%arg12 : memref<!tpu.dma_semaphore, #tpu.memory_space<semaphore_mem>>)
      %dma_wait3A_56 = arith.constant 4096 : i32
      %dma_wait3A_57 = tpu.memref_slice %arg2[%select_n3A, %dma_wait3A_56] : memref<26x16384xi32, #tpu.memory_space<hbm>> -> memref<1x4096xi32, #tpu.memory_space<hbm>>
      %dma_wait3A_58 = tpu.memref_squeeze %dma_wait3A_57 : memref<1x4096xi32, #tpu.memory_space<hbm>> -> memref<4096xi32, #tpu.memory_space<hbm>>
      %dma_wait3A_59 = arith.constant 4096 : i32
      %dma_wait3A_60 = tpu.memref_slice %arg2[%select_n3A, %dma_wait3A_59] : memref<26x16384xi32, #tpu.memory_space<hbm>> -> memref<1x4096xi32, #tpu.memory_space<hbm>>
      %dma_wait3A_61 = tpu.memref_squeeze %dma_wait3A_60 : memref<1x4096xi32, #tpu.memory_space<hbm>> -> memref<4096xi32, #tpu.memory_space<hbm>>
      tpu.wait_dma2 semaphore(%arg11 : memref<!tpu.dma_semaphore, #tpu.memory_space<semaphore_mem>>) src(%dma_wait3A_61 : memref<4096xi32, #tpu.memory_space<hbm>>) dst(%arg7 : memref<4096xi32, #tpu.memory_space<vmem>>)
      %dma_start3A_62 = arith.constant 8192 : i32
      %dma_start3A_63 = tpu.memref_slice %arg2[%select_n3A, %dma_start3A_62] : memref<26x16384xi32, #tpu.memory_space<hbm>> -> memref<1x4096xi32, #tpu.memory_space<hbm>>
      %dma_start3A_64 = tpu.memref_squeeze %dma_start3A_63 : memref<1x4096xi32, #tpu.memory_space<hbm>> -> memref<4096xi32, #tpu.memory_space<hbm>>
      %dma_start3A_65 = arith.constant 8192 : i32
      %dma_start3A_66 = tpu.memref_slice %arg2[%select_n3A, %dma_start3A_65] : memref<26x16384xi32, #tpu.memory_space<hbm>> -> memref<1x4096xi32, #tpu.memory_space<hbm>>
      %dma_start3A_67 = tpu.memref_squeeze %dma_start3A_66 : memref<1x4096xi32, #tpu.memory_space<hbm>> -> memref<4096xi32, #tpu.memory_space<hbm>>
      tpu.enqueue_dma source(%dma_start3A_67 : memref<4096xi32, #tpu.memory_space<hbm>>) target(%arg6 : memref<4096xi32, #tpu.memory_space<vmem>>) target_semaphore(%arg10 : memref<!tpu.dma_semaphore, #tpu.memory_space<semaphore_mem>>)
      %scan3A_68 = arith.constant 0 : i32
      %scan3A_69 = arith.constant 0 : i32
      %scan3A_70 = arith.constant 16 : i32
      %scan3A_71 = arith.addi %scan3A_69, %scan3A_70 : i32
      %scan3A_72 = arith.constant 1 : i32
      scf.for %scan3A_146 = %scan3A_69 to %scan3A_71 step %scan3A_72  : i32 {
        %mul3A_147 = arith.constant 256 : i32
        %mul3A_148 = arith.muli %scan3A_146, %mul3A_147 : i32
        %add3A_149 = arith.constant 0 : i32
        %add3A_150 = arith.addi %mul3A_148, %add3A_149 : i32
        %get3A = arith.index_cast %add3A_150 : i32 to index
        %get3A_151 = tpu.vector_load %arg7[%get3A] {strides = array<i32>} : memref<4096xi32, #tpu.memory_space<vmem>>, vector<16xi32>,
        %gather3A = tpu.vector_load_idx %arg5[%get3A_151] : memref<100000xf32, #tpu.memory_space<vmem>>[vector<16xi32>], vector<16xf32>,
        %swap3A = arith.index_cast %add3A_150 : i32 to index
        %swap3A_152 = tpu.vector_load %arg9[%swap3A] {strides = array<i32>} : memref<4096xf32, #tpu.memory_space<vmem>>, vector<16xf32>,
        tpu.vector_store %arg9[%swap3A], %gather3A {strides = array<i32>} : memref<4096xf32, #tpu.memory_space<vmem>>, vector<16xf32>,
        %add3A_153 = arith.constant 16 : i32
        %add3A_154 = arith.addi %mul3A_148, %add3A_153 : i32
        %get3A_155 = arith.index_cast %add3A_154 : i32 to index
        %get3A_156 = tpu.vector_load %arg7[%get3A_155] {strides = array<i32>} : memref<4096xi32, #tpu.memory_space<vmem>>, vector<16xi32>,
        %gather3A_157 = tpu.vector_load_idx %arg5[%get3A_156] : memref<100000xf32, #tpu.memory_space<vmem>>[vector<16xi32>], vector<16xf32>,
        %swap3A_158 = arith.index_cast %add3A_154 : i32 to index
        %swap3A_159 = tpu.vector_load %arg9[%swap3A_158] {strides = array<i32>} : memref<4096xf32, #tpu.memory_space<vmem>>, vector<16xf32>,
        tpu.vector_store %arg9[%swap3A_158], %gather3A_157 {strides = array<i32>} : memref<4096xf32, #tpu.memory_space<vmem>>, vector<16xf32>,
        %add3A_160 = arith.constant 32 : i32
        %add3A_161 = arith.addi %mul3A_148, %add3A_160 : i32
        %get3A_162 = arith.index_cast %add3A_161 : i32 to index
        %get3A_163 = tpu.vector_load %arg7[%get3A_162] {strides = array<i32>} : memref<4096xi32, #tpu.memory_space<vmem>>, vector<16xi32>,
        %gather3A_164 = tpu.vector_load_idx %arg5[%get3A_163] : memref<100000xf32, #tpu.memory_space<vmem>>[vector<16xi32>], vector<16xf32>,
        %swap3A_165 = arith.index_cast %add3A_161 : i32 to index
        %swap3A_166 = tpu.vector_load %arg9[%swap3A_165] {strides = array<i32>} : memref<4096xf32, #tpu.memory_space<vmem>>, vector<16xf32>,
        tpu.vector_store %arg9[%swap3A_165], %gather3A_164 {strides = array<i32>} : memref<4096xf32, #tpu.memory_space<vmem>>, vector<16xf32>,
        %add3A_167 = arith.constant 48 : i32
        %add3A_168 = arith.addi %mul3A_148, %add3A_167 : i32
        %get3A_169 = arith.index_cast %add3A_168 : i32 to index
        %get3A_170 = tpu.vector_load %arg7[%get3A_169] {strides = array<i32>} : memref<4096xi32, #tpu.memory_space<vmem>>, vector<16xi32>,
        %gather3A_171 = tpu.vector_load_idx %arg5[%get3A_170] : memref<100000xf32, #tpu.memory_space<vmem>>[vector<16xi32>], vector<16xf32>,
        %swap3A_172 = arith.index_cast %add3A_168 : i32 to index
        %swap3A_173 = tpu.vector_load %arg9[%swap3A_172] {strides = array<i32>} : memref<4096xf32, #tpu.memory_space<vmem>>, vector<16xf32>,
        tpu.vector_store %arg9[%swap3A_172], %gather3A_171 {strides = array<i32>} : memref<4096xf32, #tpu.memory_space<vmem>>, vector<16xf32>,
        %add3A_174 = arith.constant 64 : i32
        %add3A_175 = arith.addi %mul3A_148, %add3A_174 : i32
        %get3A_176 = arith.index_cast %add3A_175 : i32 to index
        %get3A_177 = tpu.vector_load %arg7[%get3A_176] {strides = array<i32>} : memref<4096xi32, #tpu.memory_space<vmem>>, vector<16xi32>,
        %gather3A_178 = tpu.vector_load_idx %arg5[%get3A_177] : memref<100000xf32, #tpu.memory_space<vmem>>[vector<16xi32>], vector<16xf32>,
        %swap3A_179 = arith.index_cast %add3A_175 : i32 to index
        %swap3A_180 = tpu.vector_load %arg9[%swap3A_179] {strides = array<i32>} : memref<4096xf32, #tpu.memory_space<vmem>>, vector<16xf32>,
        tpu.vector_store %arg9[%swap3A_179], %gather3A_178 {strides = array<i32>} : memref<4096xf32, #tpu.memory_space<vmem>>, vector<16xf32>,
        %add3A_181 = arith.constant 80 : i32
        %add3A_182 = arith.addi %mul3A_148, %add3A_181 : i32
        %get3A_183 = arith.index_cast %add3A_182 : i32 to index
        %get3A_184 = tpu.vector_load %arg7[%get3A_183] {strides = array<i32>} : memref<4096xi32, #tpu.memory_space<vmem>>, vector<16xi32>,
        %gather3A_185 = tpu.vector_load_idx %arg5[%get3A_184] : memref<100000xf32, #tpu.memory_space<vmem>>[vector<16xi32>], vector<16xf32>,
        %swap3A_186 = arith.index_cast %add3A_182 : i32 to index
        %swap3A_187 = tpu.vector_load %arg9[%swap3A_186] {strides = array<i32>} : memref<4096xf32, #tpu.memory_space<vmem>>, vector<16xf32>,
        tpu.vector_store %arg9[%swap3A_186], %gather3A_185 {strides = array<i32>} : memref<4096xf32, #tpu.memory_space<vmem>>, vector<16xf32>,
        %add3A_188 = arith.constant 96 : i32
        %add3A_189 = arith.addi %mul3A_148, %add3A_188 : i32
        %get3A_190 = arith.index_cast %add3A_189 : i32 to index
        %get3A_191 = tpu.vector_load %arg7[%get3A_190] {strides = array<i32>} : memref<4096xi32, #tpu.memory_space<vmem>>, vector<16xi32>,
        %gather3A_192 = tpu.vector_load_idx %arg5[%get3A_191] : memref<100000xf32, #tpu.memory_space<vmem>>[vector<16xi32>], vector<16xf32>,
        %swap3A_193 = arith.index_cast %add3A_189 : i32 to index
        %swap3A_194 = tpu.vector_load %arg9[%swap3A_193] {strides = array<i32>} : memref<4096xf32, #tpu.memory_space<vmem>>, vector<16xf32>,
        tpu.vector_store %arg9[%swap3A_193], %gather3A_192 {strides = array<i32>} : memref<4096xf32, #tpu.memory_space<vmem>>, vector<16xf32>,
        %add3A_195 = arith.constant 112 : i32
        %add3A_196 = arith.addi %mul3A_148, %add3A_195 : i32
        %get3A_197 = arith.index_cast %add3A_196 : i32 to index
        %get3A_198 = tpu.vector_load %arg7[%get3A_197] {strides = array<i32>} : memref<4096xi32, #tpu.memory_space<vmem>>, vector<16xi32>,
        %gather3A_199 = tpu.vector_load_idx %arg5[%get3A_198] : memref<100000xf32, #tpu.memory_space<vmem>>[vector<16xi32>], vector<16xf32>,
        %swap3A_200 = arith.index_cast %add3A_196 : i32 to index
        %swap3A_201 = tpu.vector_load %arg9[%swap3A_200] {strides = array<i32>} : memref<4096xf32, #tpu.memory_space<vmem>>, vector<16xf32>,
        tpu.vector_store %arg9[%swap3A_200], %gather3A_199 {strides = array<i32>} : memref<4096xf32, #tpu.memory_space<vmem>>, vector<16xf32>,
        %add3A_202 = arith.constant 128 : i32
        %add3A_203 = arith.addi %mul3A_148, %add3A_202 : i32
        %get3A_204 = arith.index_cast %add3A_203 : i32 to index
        %get3A_205 = tpu.vector_load %arg7[%get3A_204] {strides = array<i32>} : memref<4096xi32, #tpu.memory_space<vmem>>, vector<16xi32>,
        %gather3A_206 = tpu.vector_load_idx %arg5[%get3A_205] : memref<100000xf32, #tpu.memory_space<vmem>>[vector<16xi32>], vector<16xf32>,
        %swap3A_207 = arith.index_cast %add3A_203 : i32 to index
        %swap3A_208 = tpu.vector_load %arg9[%swap3A_207] {strides = array<i32>} : memref<4096xf32, #tpu.memory_space<vmem>>, vector<16xf32>,
        tpu.vector_store %arg9[%swap3A_207], %gather3A_206 {strides = array<i32>} : memref<4096xf32, #tpu.memory_space<vmem>>, vector<16xf32>,
        %add3A_209 = arith.constant 144 : i32
        %add3A_210 = arith.addi %mul3A_148, %add3A_209 : i32
        %get3A_211 = arith.index_cast %add3A_210 : i32 to index
        %get3A_212 = tpu.vector_load %arg7[%get3A_211] {strides = array<i32>} : memref<4096xi32, #tpu.memory_space<vmem>>, vector<16xi32>,
        %gather3A_213 = tpu.vector_load_idx %arg5[%get3A_212] : memref<100000xf32, #tpu.memory_space<vmem>>[vector<16xi32>], vector<16xf32>,
        %swap3A_214 = arith.index_cast %add3A_210 : i32 to index
        %swap3A_215 = tpu.vector_load %arg9[%swap3A_214] {strides = array<i32>} : memref<4096xf32, #tpu.memory_space<vmem>>, vector<16xf32>,
        tpu.vector_store %arg9[%swap3A_214], %gather3A_213 {strides = array<i32>} : memref<4096xf32, #tpu.memory_space<vmem>>, vector<16xf32>,
        %add3A_216 = arith.constant 160 : i32
        %add3A_217 = arith.addi %mul3A_148, %add3A_216 : i32
        %get3A_218 = arith.index_cast %add3A_217 : i32 to index
        %get3A_219 = tpu.vector_load %arg7[%get3A_218] {strides = array<i32>} : memref<4096xi32, #tpu.memory_space<vmem>>, vector<16xi32>,
        %gather3A_220 = tpu.vector_load_idx %arg5[%get3A_219] : memref<100000xf32, #tpu.memory_space<vmem>>[vector<16xi32>], vector<16xf32>,
        %swap3A_221 = arith.index_cast %add3A_217 : i32 to index
        %swap3A_222 = tpu.vector_load %arg9[%swap3A_221] {strides = array<i32>} : memref<4096xf32, #tpu.memory_space<vmem>>, vector<16xf32>,
        tpu.vector_store %arg9[%swap3A_221], %gather3A_220 {strides = array<i32>} : memref<4096xf32, #tpu.memory_space<vmem>>, vector<16xf32>,
        %add3A_223 = arith.constant 176 : i32
        %add3A_224 = arith.addi %mul3A_148, %add3A_223 : i32
        %get3A_225 = arith.index_cast %add3A_224 : i32 to index
        %get3A_226 = tpu.vector_load %arg7[%get3A_225] {strides = array<i32>} : memref<4096xi32, #tpu.memory_space<vmem>>, vector<16xi32>,
        %gather3A_227 = tpu.vector_load_idx %arg5[%get3A_226] : memref<100000xf32, #tpu.memory_space<vmem>>[vector<16xi32>], vector<16xf32>,
        %swap3A_228 = arith.index_cast %add3A_224 : i32 to index
        %swap3A_229 = tpu.vector_load %arg9[%swap3A_228] {strides = array<i32>} : memref<4096xf32, #tpu.memory_space<vmem>>, vector<16xf32>,
        tpu.vector_store %arg9[%swap3A_228], %gather3A_227 {strides = array<i32>} : memref<4096xf32, #tpu.memory_space<vmem>>, vector<16xf32>,
        %add3A_230 = arith.constant 192 : i32
        %add3A_231 = arith.addi %mul3A_148, %add3A_230 : i32
        %get3A_232 = arith.index_cast %add3A_231 : i32 to index
        %get3A_233 = tpu.vector_load %arg7[%get3A_232] {strides = array<i32>} : memref<4096xi32, #tpu.memory_space<vmem>>, vector<16xi32>,
        %gather3A_234 = tpu.vector_load_idx %arg5[%get3A_233] : memref<100000xf32, #tpu.memory_space<vmem>>[vector<16xi32>], vector<16xf32>,
        %swap3A_235 = arith.index_cast %add3A_231 : i32 to index
        %swap3A_236 = tpu.vector_load %arg9[%swap3A_235] {strides = array<i32>} : memref<4096xf32, #tpu.memory_space<vmem>>, vector<16xf32>,
        tpu.vector_store %arg9[%swap3A_235], %gather3A_234 {strides = array<i32>} : memref<4096xf32, #tpu.memory_space<vmem>>, vector<16xf32>,
        %add3A_237 = arith.constant 208 : i32
        %add3A_238 = arith.addi %mul3A_148, %add3A_237 : i32
        %get3A_239 = arith.index_cast %add3A_238 : i32 to index
        %get3A_240 = tpu.vector_load %arg7[%get3A_239] {strides = array<i32>} : memref<4096xi32, #tpu.memory_space<vmem>>, vector<16xi32>,
        %gather3A_241 = tpu.vector_load_idx %arg5[%get3A_240] : memref<100000xf32, #tpu.memory_space<vmem>>[vector<16xi32>], vector<16xf32>,
        %swap3A_242 = arith.index_cast %add3A_238 : i32 to index
        %swap3A_243 = tpu.vector_load %arg9[%swap3A_242] {strides = array<i32>} : memref<4096xf32, #tpu.memory_space<vmem>>, vector<16xf32>,
        tpu.vector_store %arg9[%swap3A_242], %gather3A_241 {strides = array<i32>} : memref<4096xf32, #tpu.memory_space<vmem>>, vector<16xf32>,
        %add3A_244 = arith.constant 224 : i32
        %add3A_245 = arith.addi %mul3A_148, %add3A_244 : i32
        %get3A_246 = arith.index_cast %add3A_245 : i32 to index
        %get3A_247 = tpu.vector_load %arg7[%get3A_246] {strides = array<i32>} : memref<4096xi32, #tpu.memory_space<vmem>>, vector<16xi32>,
        %gather3A_248 = tpu.vector_load_idx %arg5[%get3A_247] : memref<100000xf32, #tpu.memory_space<vmem>>[vector<16xi32>], vector<16xf32>,
        %swap3A_249 = arith.index_cast %add3A_245 : i32 to index
        %swap3A_250 = tpu.vector_load %arg9[%swap3A_249] {strides = array<i32>} : memref<4096xf32, #tpu.memory_space<vmem>>, vector<16xf32>,
        tpu.vector_store %arg9[%swap3A_249], %gather3A_248 {strides = array<i32>} : memref<4096xf32, #tpu.memory_space<vmem>>, vector<16xf32>,
        %add3A_251 = arith.constant 240 : i32
        %add3A_252 = arith.addi %mul3A_148, %add3A_251 : i32
        %get3A_253 = arith.index_cast %add3A_252 : i32 to index
        %get3A_254 = tpu.vector_load %arg7[%get3A_253] {strides = array<i32>} : memref<4096xi32, #tpu.memory_space<vmem>>, vector<16xi32>,
        %gather3A_255 = tpu.vector_load_idx %arg5[%get3A_254] : memref<100000xf32, #tpu.memory_space<vmem>>[vector<16xi32>], vector<16xf32>,
        %swap3A_256 = arith.index_cast %add3A_252 : i32 to index
        %swap3A_257 = tpu.vector_load %arg9[%swap3A_256] {strides = array<i32>} : memref<4096xf32, #tpu.memory_space<vmem>>, vector<16xf32>,
        tpu.vector_store %arg9[%swap3A_256], %gather3A_255 {strides = array<i32>} : memref<4096xf32, #tpu.memory_space<vmem>>, vector<16xf32>,
      }
      %scan3A_73 = arith.constant 16 : i32
      %dma_start3A_74 = arith.constant 4096 : i32
      %dma_start3A_75 = tpu.memref_slice %arg4[%add3A_9, %dma_start3A_74] : memref<832x16384xf32, #tpu.memory_space<hbm>> -> memref<1x4096xf32, #tpu.memory_space<hbm>>
      %dma_start3A_76 = tpu.memref_squeeze %dma_start3A_75 : memref<1x4096xf32, #tpu.memory_space<hbm>> -> memref<4096xf32, #tpu.memory_space<hbm>>
      %dma_start3A_77 = arith.constant 4096 : i32
      %dma_start3A_78 = tpu.memref_slice %arg4[%add3A_9, %dma_start3A_77] : memref<832x16384xf32, #tpu.memory_space<hbm>> -> memref<1x4096xf32, #tpu.memory_space<hbm>>
      %dma_start3A_79 = tpu.memref_squeeze %dma_start3A_78 : memref<1x4096xf32, #tpu.memory_space<hbm>> -> memref<4096xf32, #tpu.memory_space<hbm>>
      tpu.enqueue_dma source(%arg9 : memref<4096xf32, #tpu.memory_space<vmem>>) target(%dma_start3A_79 : memref<4096xf32, #tpu.memory_space<hbm>>) target_semaphore(%arg13 : memref<!tpu.dma_semaphore, #tpu.memory_space<semaphore_mem>>)
      %dma_wait3A_80 = arith.constant 8192 : i32
      %dma_wait3A_81 = tpu.memref_slice %arg2[%select_n3A, %dma_wait3A_80] : memref<26x16384xi32, #tpu.memory_space<hbm>> -> memref<1x4096xi32, #tpu.memory_space<hbm>>
      %dma_wait3A_82 = tpu.memref_squeeze %dma_wait3A_81 : memref<1x4096xi32, #tpu.memory_space<hbm>> -> memref<4096xi32, #tpu.memory_space<hbm>>
      %dma_wait3A_83 = arith.constant 8192 : i32
      %dma_wait3A_84 = tpu.memref_slice %arg2[%select_n3A, %dma_wait3A_83] : memref<26x16384xi32, #tpu.memory_space<hbm>> -> memref<1x4096xi32, #tpu.memory_space<hbm>>
      %dma_wait3A_85 = tpu.memref_squeeze %dma_wait3A_84 : memref<1x4096xi32, #tpu.memory_space<hbm>> -> memref<4096xi32, #tpu.memory_space<hbm>>
      tpu.wait_dma2 semaphore(%arg10 : memref<!tpu.dma_semaphore, #tpu.memory_space<semaphore_mem>>) src(%dma_wait3A_85 : memref<4096xi32, #tpu.memory_space<hbm>>) dst(%arg6 : memref<4096xi32, #tpu.memory_space<vmem>>)
      %dma_start3A_86 = arith.constant 12288 : i32
      %dma_start3A_87 = tpu.memref_slice %arg2[%select_n3A, %dma_start3A_86] : memref<26x16384xi32, #tpu.memory_space<hbm>> -> memref<1x4096xi32, #tpu.memory_space<hbm>>
      %dma_start3A_88 = tpu.memref_squeeze %dma_start3A_87 : memref<1x4096xi32, #tpu.memory_space<hbm>> -> memref<4096xi32, #tpu.memory_space<hbm>>
      %dma_start3A_89 = arith.constant 12288 : i32
      %dma_start3A_90 = tpu.memref_slice %arg2[%select_n3A, %dma_start3A_89] : memref<26x16384xi32, #tpu.memory_space<hbm>> -> memref<1x4096xi32, #tpu.memory_space<hbm>>
      %dma_start3A_91 = tpu.memref_squeeze %dma_start3A_90 : memref<1x4096xi32, #tpu.memory_space<hbm>> -> memref<4096xi32, #tpu.memory_space<hbm>>
      tpu.enqueue_dma source(%dma_start3A_91 : memref<4096xi32, #tpu.memory_space<hbm>>) target(%arg7 : memref<4096xi32, #tpu.memory_space<vmem>>) target_semaphore(%arg11 : memref<!tpu.dma_semaphore, #tpu.memory_space<semaphore_mem>>)
      %dma_wait3A_92 = arith.constant 0 : i32
      %dma_wait3A_93 = tpu.memref_slice %arg4[%add3A_9, %dma_wait3A_92] : memref<832x16384xf32, #tpu.memory_space<hbm>> -> memref<1x4096xf32, #tpu.memory_space<hbm>>
      %dma_wait3A_94 = tpu.memref_squeeze %dma_wait3A_93 : memref<1x4096xf32, #tpu.memory_space<hbm>> -> memref<4096xf32, #tpu.memory_space<hbm>>
      %dma_wait3A_95 = arith.constant 0 : i32
      %dma_wait3A_96 = tpu.memref_slice %arg4[%add3A_9, %dma_wait3A_95] : memref<832x16384xf32, #tpu.memory_space<hbm>> -> memref<1x4096xf32, #tpu.memory_space<hbm>>
      %dma_wait3A_97 = tpu.memref_squeeze %dma_wait3A_96 : memref<1x4096xf32, #tpu.memory_space<hbm>> -> memref<4096xf32, #tpu.memory_space<hbm>>
      tpu.wait_dma2 semaphore(%arg12 : memref<!tpu.dma_semaphore, #tpu.memory_space<semaphore_mem>>) src(%arg8 : memref<4096xf32, #tpu.memory_space<vmem>>) dst(%dma_wait3A_97 : memref<4096xf32, #tpu.memory_space<hbm>>)
      %scan3A_98 = arith.constant 0 : i32
      %scan3A_99 = arith.constant 0 : i32
      %scan3A_100 = arith.constant 16 : i32
      %scan3A_101 = arith.addi %scan3A_99, %scan3A_100 : i32
      %scan3A_102 = arith.constant 1 : i32
      scf.for %scan3A_146 = %scan3A_99 to %scan3A_101 step %scan3A_102  : i32 {
        %mul3A_147 = arith.constant 256 : i32
        %mul3A_148 = arith.muli %scan3A_146, %mul3A_147 : i32
        %add3A_149 = arith.constant 0 : i32
        %add3A_150 = arith.addi %mul3A_148, %add3A_149 : i32
        %get3A = arith.index_cast %add3A_150 : i32 to index
        %get3A_151 = tpu.vector_load %arg6[%get3A] {strides = array<i32>} : memref<4096xi32, #tpu.memory_space<vmem>>, vector<16xi32>,
        %gather3A = tpu.vector_load_idx %arg5[%get3A_151] : memref<100000xf32, #tpu.memory_space<vmem>>[vector<16xi32>], vector<16xf32>,
        %swap3A = arith.index_cast %add3A_150 : i32 to index
        %swap3A_152 = tpu.vector_load %arg8[%swap3A] {strides = array<i32>} : memref<4096xf32, #tpu.memory_space<vmem>>, vector<16xf32>,
        tpu.vector_store %arg8[%swap3A], %gather3A {strides = array<i32>} : memref<4096xf32, #tpu.memory_space<vmem>>, vector<16xf32>,
        %add3A_153 = arith.constant 16 : i32
        %add3A_154 = arith.addi %mul3A_148, %add3A_153 : i32
        %get3A_155 = arith.index_cast %add3A_154 : i32 to index
        %get3A_156 = tpu.vector_load %arg6[%get3A_155] {strides = array<i32>} : memref<4096xi32, #tpu.memory_space<vmem>>, vector<16xi32>,
        %gather3A_157 = tpu.vector_load_idx %arg5[%get3A_156] : memref<100000xf32, #tpu.memory_space<vmem>>[vector<16xi32>], vector<16xf32>,
        %swap3A_158 = arith.index_cast %add3A_154 : i32 to index
        %swap3A_159 = tpu.vector_load %arg8[%swap3A_158] {strides = array<i32>} : memref<4096xf32, #tpu.memory_space<vmem>>, vector<16xf32>,
        tpu.vector_store %arg8[%swap3A_158], %gather3A_157 {strides = array<i32>} : memref<4096xf32, #tpu.memory_space<vmem>>, vector<16xf32>,
        %add3A_160 = arith.constant 32 : i32
        %add3A_161 = arith.addi %mul3A_148, %add3A_160 : i32
        %get3A_162 = arith.index_cast %add3A_161 : i32 to index
        %get3A_163 = tpu.vector_load %arg6[%get3A_162] {strides = array<i32>} : memref<4096xi32, #tpu.memory_space<vmem>>, vector<16xi32>,
        %gather3A_164 = tpu.vector_load_idx %arg5[%get3A_163] : memref<100000xf32, #tpu.memory_space<vmem>>[vector<16xi32>], vector<16xf32>,
        %swap3A_165 = arith.index_cast %add3A_161 : i32 to index
        %swap3A_166 = tpu.vector_load %arg8[%swap3A_165] {strides = array<i32>} : memref<4096xf32, #tpu.memory_space<vmem>>, vector<16xf32>,
        tpu.vector_store %arg8[%swap3A_165], %gather3A_164 {strides = array<i32>} : memref<4096xf32, #tpu.memory_space<vmem>>, vector<16xf32>,
        %add3A_167 = arith.constant 48 : i32
        %add3A_168 = arith.addi %mul3A_148, %add3A_167 : i32
        %get3A_169 = arith.index_cast %add3A_168 : i32 to index
        %get3A_170 = tpu.vector_load %arg6[%get3A_169] {strides = array<i32>} : memref<4096xi32, #tpu.memory_space<vmem>>, vector<16xi32>,
        %gather3A_171 = tpu.vector_load_idx %arg5[%get3A_170] : memref<100000xf32, #tpu.memory_space<vmem>>[vector<16xi32>], vector<16xf32>,
        %swap3A_172 = arith.index_cast %add3A_168 : i32 to index
        %swap3A_173 = tpu.vector_load %arg8[%swap3A_172] {strides = array<i32>} : memref<4096xf32, #tpu.memory_space<vmem>>, vector<16xf32>,
        tpu.vector_store %arg8[%swap3A_172], %gather3A_171 {strides = array<i32>} : memref<4096xf32, #tpu.memory_space<vmem>>, vector<16xf32>,
        %add3A_174 = arith.constant 64 : i32
        %add3A_175 = arith.addi %mul3A_148, %add3A_174 : i32
        %get3A_176 = arith.index_cast %add3A_175 : i32 to index
        %get3A_177 = tpu.vector_load %arg6[%get3A_176] {strides = array<i32>} : memref<4096xi32, #tpu.memory_space<vmem>>, vector<16xi32>,
        %gather3A_178 = tpu.vector_load_idx %arg5[%get3A_177] : memref<100000xf32, #tpu.memory_space<vmem>>[vector<16xi32>], vector<16xf32>,
        %swap3A_179 = arith.index_cast %add3A_175 : i32 to index
        %swap3A_180 = tpu.vector_load %arg8[%swap3A_179] {strides = array<i32>} : memref<4096xf32, #tpu.memory_space<vmem>>, vector<16xf32>,
        tpu.vector_store %arg8[%swap3A_179], %gather3A_178 {strides = array<i32>} : memref<4096xf32, #tpu.memory_space<vmem>>, vector<16xf32>,
        %add3A_181 = arith.constant 80 : i32
        %add3A_182 = arith.addi %mul3A_148, %add3A_181 : i32
        %get3A_183 = arith.index_cast %add3A_182 : i32 to index
        %get3A_184 = tpu.vector_load %arg6[%get3A_183] {strides = array<i32>} : memref<4096xi32, #tpu.memory_space<vmem>>, vector<16xi32>,
        %gather3A_185 = tpu.vector_load_idx %arg5[%get3A_184] : memref<100000xf32, #tpu.memory_space<vmem>>[vector<16xi32>], vector<16xf32>,
        %swap3A_186 = arith.index_cast %add3A_182 : i32 to index
        %swap3A_187 = tpu.vector_load %arg8[%swap3A_186] {strides = array<i32>} : memref<4096xf32, #tpu.memory_space<vmem>>, vector<16xf32>,
        tpu.vector_store %arg8[%swap3A_186], %gather3A_185 {strides = array<i32>} : memref<4096xf32, #tpu.memory_space<vmem>>, vector<16xf32>,
        %add3A_188 = arith.constant 96 : i32
        %add3A_189 = arith.addi %mul3A_148, %add3A_188 : i32
        %get3A_190 = arith.index_cast %add3A_189 : i32 to index
        %get3A_191 = tpu.vector_load %arg6[%get3A_190] {strides = array<i32>} : memref<4096xi32, #tpu.memory_space<vmem>>, vector<16xi32>,
        %gather3A_192 = tpu.vector_load_idx %arg5[%get3A_191] : memref<100000xf32, #tpu.memory_space<vmem>>[vector<16xi32>], vector<16xf32>,
        %swap3A_193 = arith.index_cast %add3A_189 : i32 to index
        %swap3A_194 = tpu.vector_load %arg8[%swap3A_193] {strides = array<i32>} : memref<4096xf32, #tpu.memory_space<vmem>>, vector<16xf32>,
        tpu.vector_store %arg8[%swap3A_193], %gather3A_192 {strides = array<i32>} : memref<4096xf32, #tpu.memory_space<vmem>>, vector<16xf32>,
        %add3A_195 = arith.constant 112 : i32
        %add3A_196 = arith.addi %mul3A_148, %add3A_195 : i32
        %get3A_197 = arith.index_cast %add3A_196 : i32 to index
        %get3A_198 = tpu.vector_load %arg6[%get3A_197] {strides = array<i32>} : memref<4096xi32, #tpu.memory_space<vmem>>, vector<16xi32>,
        %gather3A_199 = tpu.vector_load_idx %arg5[%get3A_198] : memref<100000xf32, #tpu.memory_space<vmem>>[vector<16xi32>], vector<16xf32>,
        %swap3A_200 = arith.index_cast %add3A_196 : i32 to index
        %swap3A_201 = tpu.vector_load %arg8[%swap3A_200] {strides = array<i32>} : memref<4096xf32, #tpu.memory_space<vmem>>, vector<16xf32>,
        tpu.vector_store %arg8[%swap3A_200], %gather3A_199 {strides = array<i32>} : memref<4096xf32, #tpu.memory_space<vmem>>, vector<16xf32>,
        %add3A_202 = arith.constant 128 : i32
        %add3A_203 = arith.addi %mul3A_148, %add3A_202 : i32
        %get3A_204 = arith.index_cast %add3A_203 : i32 to index
        %get3A_205 = tpu.vector_load %arg6[%get3A_204] {strides = array<i32>} : memref<4096xi32, #tpu.memory_space<vmem>>, vector<16xi32>,
        %gather3A_206 = tpu.vector_load_idx %arg5[%get3A_205] : memref<100000xf32, #tpu.memory_space<vmem>>[vector<16xi32>], vector<16xf32>,
        %swap3A_207 = arith.index_cast %add3A_203 : i32 to index
        %swap3A_208 = tpu.vector_load %arg8[%swap3A_207] {strides = array<i32>} : memref<4096xf32, #tpu.memory_space<vmem>>, vector<16xf32>,
        tpu.vector_store %arg8[%swap3A_207], %gather3A_206 {strides = array<i32>} : memref<4096xf32, #tpu.memory_space<vmem>>, vector<16xf32>,
        %add3A_209 = arith.constant 144 : i32
        %add3A_210 = arith.addi %mul3A_148, %add3A_209 : i32
        %get3A_211 = arith.index_cast %add3A_210 : i32 to index
        %get3A_212 = tpu.vector_load %arg6[%get3A_211] {strides = array<i32>} : memref<4096xi32, #tpu.memory_space<vmem>>, vector<16xi32>,
        %gather3A_213 = tpu.vector_load_idx %arg5[%get3A_212] : memref<100000xf32, #tpu.memory_space<vmem>>[vector<16xi32>], vector<16xf32>,
        %swap3A_214 = arith.index_cast %add3A_210 : i32 to index
        %swap3A_215 = tpu.vector_load %arg8[%swap3A_214] {strides = array<i32>} : memref<4096xf32, #tpu.memory_space<vmem>>, vector<16xf32>,
        tpu.vector_store %arg8[%swap3A_214], %gather3A_213 {strides = array<i32>} : memref<4096xf32, #tpu.memory_space<vmem>>, vector<16xf32>,
        %add3A_216 = arith.constant 160 : i32
        %add3A_217 = arith.addi %mul3A_148, %add3A_216 : i32
        %get3A_218 = arith.index_cast %add3A_217 : i32 to index
        %get3A_219 = tpu.vector_load %arg6[%get3A_218] {strides = array<i32>} : memref<4096xi32, #tpu.memory_space<vmem>>, vector<16xi32>,
        %gather3A_220 = tpu.vector_load_idx %arg5[%get3A_219] : memref<100000xf32, #tpu.memory_space<vmem>>[vector<16xi32>], vector<16xf32>,
        %swap3A_221 = arith.index_cast %add3A_217 : i32 to index
        %swap3A_222 = tpu.vector_load %arg8[%swap3A_221] {strides = array<i32>} : memref<4096xf32, #tpu.memory_space<vmem>>, vector<16xf32>,
        tpu.vector_store %arg8[%swap3A_221], %gather3A_220 {strides = array<i32>} : memref<4096xf32, #tpu.memory_space<vmem>>, vector<16xf32>,
        %add3A_223 = arith.constant 176 : i32
        %add3A_224 = arith.addi %mul3A_148, %add3A_223 : i32
        %get3A_225 = arith.index_cast %add3A_224 : i32 to index
        %get3A_226 = tpu.vector_load %arg6[%get3A_225] {strides = array<i32>} : memref<4096xi32, #tpu.memory_space<vmem>>, vector<16xi32>,
        %gather3A_227 = tpu.vector_load_idx %arg5[%get3A_226] : memref<100000xf32, #tpu.memory_space<vmem>>[vector<16xi32>], vector<16xf32>,
        %swap3A_228 = arith.index_cast %add3A_224 : i32 to index
        %swap3A_229 = tpu.vector_load %arg8[%swap3A_228] {strides = array<i32>} : memref<4096xf32, #tpu.memory_space<vmem>>, vector<16xf32>,
        tpu.vector_store %arg8[%swap3A_228], %gather3A_227 {strides = array<i32>} : memref<4096xf32, #tpu.memory_space<vmem>>, vector<16xf32>,
        %add3A_230 = arith.constant 192 : i32
        %add3A_231 = arith.addi %mul3A_148, %add3A_230 : i32
        %get3A_232 = arith.index_cast %add3A_231 : i32 to index
        %get3A_233 = tpu.vector_load %arg6[%get3A_232] {strides = array<i32>} : memref<4096xi32, #tpu.memory_space<vmem>>, vector<16xi32>,
        %gather3A_234 = tpu.vector_load_idx %arg5[%get3A_233] : memref<100000xf32, #tpu.memory_space<vmem>>[vector<16xi32>], vector<16xf32>,
        %swap3A_235 = arith.index_cast %add3A_231 : i32 to index
        %swap3A_236 = tpu.vector_load %arg8[%swap3A_235] {strides = array<i32>} : memref<4096xf32, #tpu.memory_space<vmem>>, vector<16xf32>,
        tpu.vector_store %arg8[%swap3A_235], %gather3A_234 {strides = array<i32>} : memref<4096xf32, #tpu.memory_space<vmem>>, vector<16xf32>,
        %add3A_237 = arith.constant 208 : i32
        %add3A_238 = arith.addi %mul3A_148, %add3A_237 : i32
        %get3A_239 = arith.index_cast %add3A_238 : i32 to index
        %get3A_240 = tpu.vector_load %arg6[%get3A_239] {strides = array<i32>} : memref<4096xi32, #tpu.memory_space<vmem>>, vector<16xi32>,
        %gather3A_241 = tpu.vector_load_idx %arg5[%get3A_240] : memref<100000xf32, #tpu.memory_space<vmem>>[vector<16xi32>], vector<16xf32>,
        %swap3A_242 = arith.index_cast %add3A_238 : i32 to index
        %swap3A_243 = tpu.vector_load %arg8[%swap3A_242] {strides = array<i32>} : memref<4096xf32, #tpu.memory_space<vmem>>, vector<16xf32>,
        tpu.vector_store %arg8[%swap3A_242], %gather3A_241 {strides = array<i32>} : memref<4096xf32, #tpu.memory_space<vmem>>, vector<16xf32>,
        %add3A_244 = arith.constant 224 : i32
        %add3A_245 = arith.addi %mul3A_148, %add3A_244 : i32
        %get3A_246 = arith.index_cast %add3A_245 : i32 to index
        %get3A_247 = tpu.vector_load %arg6[%get3A_246] {strides = array<i32>} : memref<4096xi32, #tpu.memory_space<vmem>>, vector<16xi32>,
        %gather3A_248 = tpu.vector_load_idx %arg5[%get3A_247] : memref<100000xf32, #tpu.memory_space<vmem>>[vector<16xi32>], vector<16xf32>,
        %swap3A_249 = arith.index_cast %add3A_245 : i32 to index
        %swap3A_250 = tpu.vector_load %arg8[%swap3A_249] {strides = array<i32>} : memref<4096xf32, #tpu.memory_space<vmem>>, vector<16xf32>,
        tpu.vector_store %arg8[%swap3A_249], %gather3A_248 {strides = array<i32>} : memref<4096xf32, #tpu.memory_space<vmem>>, vector<16xf32>,
        %add3A_251 = arith.constant 240 : i32
        %add3A_252 = arith.addi %mul3A_148, %add3A_251 : i32
        %get3A_253 = arith.index_cast %add3A_252 : i32 to index
        %get3A_254 = tpu.vector_load %arg6[%get3A_253] {strides = array<i32>} : memref<4096xi32, #tpu.memory_space<vmem>>, vector<16xi32>,
        %gather3A_255 = tpu.vector_load_idx %arg5[%get3A_254] : memref<100000xf32, #tpu.memory_space<vmem>>[vector<16xi32>], vector<16xf32>,
        %swap3A_256 = arith.index_cast %add3A_252 : i32 to index
        %swap3A_257 = tpu.vector_load %arg8[%swap3A_256] {strides = array<i32>} : memref<4096xf32, #tpu.memory_space<vmem>>, vector<16xf32>,
        tpu.vector_store %arg8[%swap3A_256], %gather3A_255 {strides = array<i32>} : memref<4096xf32, #tpu.memory_space<vmem>>, vector<16xf32>,
      }
      %scan3A_103 = arith.constant 16 : i32
      %dma_start3A_104 = arith.constant 8192 : i32
      %dma_start3A_105 = tpu.memref_slice %arg4[%add3A_9, %dma_start3A_104] : memref<832x16384xf32, #tpu.memory_space<hbm>> -> memref<1x4096xf32, #tpu.memory_space<hbm>>
      %dma_start3A_106 = tpu.memref_squeeze %dma_start3A_105 : memref<1x4096xf32, #tpu.memory_space<hbm>> -> memref<4096xf32, #tpu.memory_space<hbm>>
      %dma_start3A_107 = arith.constant 8192 : i32
      %dma_start3A_108 = tpu.memref_slice %arg4[%add3A_9, %dma_start3A_107] : memref<832x16384xf32, #tpu.memory_space<hbm>> -> memref<1x4096xf32, #tpu.memory_space<hbm>>
      %dma_start3A_109 = tpu.memref_squeeze %dma_start3A_108 : memref<1x4096xf32, #tpu.memory_space<hbm>> -> memref<4096xf32, #tpu.memory_space<hbm>>
      tpu.enqueue_dma source(%arg8 : memref<4096xf32, #tpu.memory_space<vmem>>) target(%dma_start3A_109 : memref<4096xf32, #tpu.memory_space<hbm>>) target_semaphore(%arg12 : memref<!tpu.dma_semaphore, #tpu.memory_space<semaphore_mem>>)
      %dma_wait3A_110 = arith.constant 12288 : i32
      %dma_wait3A_111 = tpu.memref_slice %arg2[%select_n3A, %dma_wait3A_110] : memref<26x16384xi32, #tpu.memory_space<hbm>> -> memref<1x4096xi32, #tpu.memory_space<hbm>>
      %dma_wait3A_112 = tpu.memref_squeeze %dma_wait3A_111 : memref<1x4096xi32, #tpu.memory_space<hbm>> -> memref<4096xi32, #tpu.memory_space<hbm>>
      %dma_wait3A_113 = arith.constant 12288 : i32
      %dma_wait3A_114 = tpu.memref_slice %arg2[%select_n3A, %dma_wait3A_113] : memref<26x16384xi32, #tpu.memory_space<hbm>> -> memref<1x4096xi32, #tpu.memory_space<hbm>>
      %dma_wait3A_115 = tpu.memref_squeeze %dma_wait3A_114 : memref<1x4096xi32, #tpu.memory_space<hbm>> -> memref<4096xi32, #tpu.memory_space<hbm>>
      tpu.wait_dma2 semaphore(%arg11 : memref<!tpu.dma_semaphore, #tpu.memory_space<semaphore_mem>>) src(%dma_wait3A_115 : memref<4096xi32, #tpu.memory_space<hbm>>) dst(%arg7 : memref<4096xi32, #tpu.memory_space<vmem>>)
      %dma_wait3A_116 = arith.constant 4096 : i32
      %dma_wait3A_117 = tpu.memref_slice %arg4[%add3A_9, %dma_wait3A_116] : memref<832x16384xf32, #tpu.memory_space<hbm>> -> memref<1x4096xf32, #tpu.memory_space<hbm>>
      %dma_wait3A_118 = tpu.memref_squeeze %dma_wait3A_117 : memref<1x4096xf32, #tpu.memory_space<hbm>> -> memref<4096xf32, #tpu.memory_space<hbm>>
      %dma_wait3A_119 = arith.constant 4096 : i32
      %dma_wait3A_120 = tpu.memref_slice %arg4[%add3A_9, %dma_wait3A_119] : memref<832x16384xf32, #tpu.memory_space<hbm>> -> memref<1x4096xf32, #tpu.memory_space<hbm>>
      %dma_wait3A_121 = tpu.memref_squeeze %dma_wait3A_120 : memref<1x4096xf32, #tpu.memory_space<hbm>> -> memref<4096xf32, #tpu.memory_space<hbm>>
      tpu.wait_dma2 semaphore(%arg13 : memref<!tpu.dma_semaphore, #tpu.memory_space<semaphore_mem>>) src(%arg9 : memref<4096xf32, #tpu.memory_space<vmem>>) dst(%dma_wait3A_121 : memref<4096xf32, #tpu.memory_space<hbm>>)
      %scan3A_122 = arith.constant 0 : i32
      %scan3A_123 = arith.constant 0 : i32
      %scan3A_124 = arith.constant 16 : i32
      %scan3A_125 = arith.addi %scan3A_123, %scan3A_124 : i32
      %scan3A_126 = arith.constant 1 : i32
      scf.for %scan3A_146 = %scan3A_123 to %scan3A_125 step %scan3A_126  : i32 {
        %mul3A_147 = arith.constant 256 : i32
        %mul3A_148 = arith.muli %scan3A_146, %mul3A_147 : i32
        %add3A_149 = arith.constant 0 : i32
        %add3A_150 = arith.addi %mul3A_148, %add3A_149 : i32
        %get3A = arith.index_cast %add3A_150 : i32 to index
        %get3A_151 = tpu.vector_load %arg7[%get3A] {strides = array<i32>} : memref<4096xi32, #tpu.memory_space<vmem>>, vector<16xi32>,
        %gather3A = tpu.vector_load_idx %arg5[%get3A_151] : memref<100000xf32, #tpu.memory_space<vmem>>[vector<16xi32>], vector<16xf32>,
        %swap3A = arith.index_cast %add3A_150 : i32 to index
        %swap3A_152 = tpu.vector_load %arg9[%swap3A] {strides = array<i32>} : memref<4096xf32, #tpu.memory_space<vmem>>, vector<16xf32>,
        tpu.vector_store %arg9[%swap3A], %gather3A {strides = array<i32>} : memref<4096xf32, #tpu.memory_space<vmem>>, vector<16xf32>,
        %add3A_153 = arith.constant 16 : i32
        %add3A_154 = arith.addi %mul3A_148, %add3A_153 : i32
        %get3A_155 = arith.index_cast %add3A_154 : i32 to index
        %get3A_156 = tpu.vector_load %arg7[%get3A_155] {strides = array<i32>} : memref<4096xi32, #tpu.memory_space<vmem>>, vector<16xi32>,
        %gather3A_157 = tpu.vector_load_idx %arg5[%get3A_156] : memref<100000xf32, #tpu.memory_space<vmem>>[vector<16xi32>], vector<16xf32>,
        %swap3A_158 = arith.index_cast %add3A_154 : i32 to index
        %swap3A_159 = tpu.vector_load %arg9[%swap3A_158] {strides = array<i32>} : memref<4096xf32, #tpu.memory_space<vmem>>, vector<16xf32>,
        tpu.vector_store %arg9[%swap3A_158], %gather3A_157 {strides = array<i32>} : memref<4096xf32, #tpu.memory_space<vmem>>, vector<16xf32>,
        %add3A_160 = arith.constant 32 : i32
        %add3A_161 = arith.addi %mul3A_148, %add3A_160 : i32
        %get3A_162 = arith.index_cast %add3A_161 : i32 to index
        %get3A_163 = tpu.vector_load %arg7[%get3A_162] {strides = array<i32>} : memref<4096xi32, #tpu.memory_space<vmem>>, vector<16xi32>,
        %gather3A_164 = tpu.vector_load_idx %arg5[%get3A_163] : memref<100000xf32, #tpu.memory_space<vmem>>[vector<16xi32>], vector<16xf32>,
        %swap3A_165 = arith.index_cast %add3A_161 : i32 to index
        %swap3A_166 = tpu.vector_load %arg9[%swap3A_165] {strides = array<i32>} : memref<4096xf32, #tpu.memory_space<vmem>>, vector<16xf32>,
        tpu.vector_store %arg9[%swap3A_165], %gather3A_164 {strides = array<i32>} : memref<4096xf32, #tpu.memory_space<vmem>>, vector<16xf32>,
        %add3A_167 = arith.constant 48 : i32
        %add3A_168 = arith.addi %mul3A_148, %add3A_167 : i32
        %get3A_169 = arith.index_cast %add3A_168 : i32 to index
        %get3A_170 = tpu.vector_load %arg7[%get3A_169] {strides = array<i32>} : memref<4096xi32, #tpu.memory_space<vmem>>, vector<16xi32>,
        %gather3A_171 = tpu.vector_load_idx %arg5[%get3A_170] : memref<100000xf32, #tpu.memory_space<vmem>>[vector<16xi32>], vector<16xf32>,
        %swap3A_172 = arith.index_cast %add3A_168 : i32 to index
        %swap3A_173 = tpu.vector_load %arg9[%swap3A_172] {strides = array<i32>} : memref<4096xf32, #tpu.memory_space<vmem>>, vector<16xf32>,
        tpu.vector_store %arg9[%swap3A_172], %gather3A_171 {strides = array<i32>} : memref<4096xf32, #tpu.memory_space<vmem>>, vector<16xf32>,
        %add3A_174 = arith.constant 64 : i32
        %add3A_175 = arith.addi %mul3A_148, %add3A_174 : i32
        %get3A_176 = arith.index_cast %add3A_175 : i32 to index
        %get3A_177 = tpu.vector_load %arg7[%get3A_176] {strides = array<i32>} : memref<4096xi32, #tpu.memory_space<vmem>>, vector<16xi32>,
        %gather3A_178 = tpu.vector_load_idx %arg5[%get3A_177] : memref<100000xf32, #tpu.memory_space<vmem>>[vector<16xi32>], vector<16xf32>,
        %swap3A_179 = arith.index_cast %add3A_175 : i32 to index
        %swap3A_180 = tpu.vector_load %arg9[%swap3A_179] {strides = array<i32>} : memref<4096xf32, #tpu.memory_space<vmem>>, vector<16xf32>,
        tpu.vector_store %arg9[%swap3A_179], %gather3A_178 {strides = array<i32>} : memref<4096xf32, #tpu.memory_space<vmem>>, vector<16xf32>,
        %add3A_181 = arith.constant 80 : i32
        %add3A_182 = arith.addi %mul3A_148, %add3A_181 : i32
        %get3A_183 = arith.index_cast %add3A_182 : i32 to index
        %get3A_184 = tpu.vector_load %arg7[%get3A_183] {strides = array<i32>} : memref<4096xi32, #tpu.memory_space<vmem>>, vector<16xi32>,
        %gather3A_185 = tpu.vector_load_idx %arg5[%get3A_184] : memref<100000xf32, #tpu.memory_space<vmem>>[vector<16xi32>], vector<16xf32>,
        %swap3A_186 = arith.index_cast %add3A_182 : i32 to index
        %swap3A_187 = tpu.vector_load %arg9[%swap3A_186] {strides = array<i32>} : memref<4096xf32, #tpu.memory_space<vmem>>, vector<16xf32>,
        tpu.vector_store %arg9[%swap3A_186], %gather3A_185 {strides = array<i32>} : memref<4096xf32, #tpu.memory_space<vmem>>, vector<16xf32>,
        %add3A_188 = arith.constant 96 : i32
        %add3A_189 = arith.addi %mul3A_148, %add3A_188 : i32
        %get3A_190 = arith.index_cast %add3A_189 : i32 to index
        %get3A_191 = tpu.vector_load %arg7[%get3A_190] {strides = array<i32>} : memref<4096xi32, #tpu.memory_space<vmem>>, vector<16xi32>,
        %gather3A_192 = tpu.vector_load_idx %arg5[%get3A_191] : memref<100000xf32, #tpu.memory_space<vmem>>[vector<16xi32>], vector<16xf32>,
        %swap3A_193 = arith.index_cast %add3A_189 : i32 to index
        %swap3A_194 = tpu.vector_load %arg9[%swap3A_193] {strides = array<i32>} : memref<4096xf32, #tpu.memory_space<vmem>>, vector<16xf32>,
        tpu.vector_store %arg9[%swap3A_193], %gather3A_192 {strides = array<i32>} : memref<4096xf32, #tpu.memory_space<vmem>>, vector<16xf32>,
        %add3A_195 = arith.constant 112 : i32
        %add3A_196 = arith.addi %mul3A_148, %add3A_195 : i32
        %get3A_197 = arith.index_cast %add3A_196 : i32 to index
        %get3A_198 = tpu.vector_load %arg7[%get3A_197] {strides = array<i32>} : memref<4096xi32, #tpu.memory_space<vmem>>, vector<16xi32>,
        %gather3A_199 = tpu.vector_load_idx %arg5[%get3A_198] : memref<100000xf32, #tpu.memory_space<vmem>>[vector<16xi32>], vector<16xf32>,
        %swap3A_200 = arith.index_cast %add3A_196 : i32 to index
        %swap3A_201 = tpu.vector_load %arg9[%swap3A_200] {strides = array<i32>} : memref<4096xf32, #tpu.memory_space<vmem>>, vector<16xf32>,
        tpu.vector_store %arg9[%swap3A_200], %gather3A_199 {strides = array<i32>} : memref<4096xf32, #tpu.memory_space<vmem>>, vector<16xf32>,
        %add3A_202 = arith.constant 128 : i32
        %add3A_203 = arith.addi %mul3A_148, %add3A_202 : i32
        %get3A_204 = arith.index_cast %add3A_203 : i32 to index
        %get3A_205 = tpu.vector_load %arg7[%get3A_204] {strides = array<i32>} : memref<4096xi32, #tpu.memory_space<vmem>>, vector<16xi32>,
        %gather3A_206 = tpu.vector_load_idx %arg5[%get3A_205] : memref<100000xf32, #tpu.memory_space<vmem>>[vector<16xi32>], vector<16xf32>,
        %swap3A_207 = arith.index_cast %add3A_203 : i32 to index
        %swap3A_208 = tpu.vector_load %arg9[%swap3A_207] {strides = array<i32>} : memref<4096xf32, #tpu.memory_space<vmem>>, vector<16xf32>,
        tpu.vector_store %arg9[%swap3A_207], %gather3A_206 {strides = array<i32>} : memref<4096xf32, #tpu.memory_space<vmem>>, vector<16xf32>,
        %add3A_209 = arith.constant 144 : i32
        %add3A_210 = arith.addi %mul3A_148, %add3A_209 : i32
        %get3A_211 = arith.index_cast %add3A_210 : i32 to index
        %get3A_212 = tpu.vector_load %arg7[%get3A_211] {strides = array<i32>} : memref<4096xi32, #tpu.memory_space<vmem>>, vector<16xi32>,
        %gather3A_213 = tpu.vector_load_idx %arg5[%get3A_212] : memref<100000xf32, #tpu.memory_space<vmem>>[vector<16xi32>], vector<16xf32>,
        %swap3A_214 = arith.index_cast %add3A_210 : i32 to index
        %swap3A_215 = tpu.vector_load %arg9[%swap3A_214] {strides = array<i32>} : memref<4096xf32, #tpu.memory_space<vmem>>, vector<16xf32>,
        tpu.vector_store %arg9[%swap3A_214], %gather3A_213 {strides = array<i32>} : memref<4096xf32, #tpu.memory_space<vmem>>, vector<16xf32>,
        %add3A_216 = arith.constant 160 : i32
        %add3A_217 = arith.addi %mul3A_148, %add3A_216 : i32
        %get3A_218 = arith.index_cast %add3A_217 : i32 to index
        %get3A_219 = tpu.vector_load %arg7[%get3A_218] {strides = array<i32>} : memref<4096xi32, #tpu.memory_space<vmem>>, vector<16xi32>,
        %gather3A_220 = tpu.vector_load_idx %arg5[%get3A_219] : memref<100000xf32, #tpu.memory_space<vmem>>[vector<16xi32>], vector<16xf32>,
        %swap3A_221 = arith.index_cast %add3A_217 : i32 to index
        %swap3A_222 = tpu.vector_load %arg9[%swap3A_221] {strides = array<i32>} : memref<4096xf32, #tpu.memory_space<vmem>>, vector<16xf32>,
        tpu.vector_store %arg9[%swap3A_221], %gather3A_220 {strides = array<i32>} : memref<4096xf32, #tpu.memory_space<vmem>>, vector<16xf32>,
        %add3A_223 = arith.constant 176 : i32
        %add3A_224 = arith.addi %mul3A_148, %add3A_223 : i32
        %get3A_225 = arith.index_cast %add3A_224 : i32 to index
        %get3A_226 = tpu.vector_load %arg7[%get3A_225] {strides = array<i32>} : memref<4096xi32, #tpu.memory_space<vmem>>, vector<16xi32>,
        %gather3A_227 = tpu.vector_load_idx %arg5[%get3A_226] : memref<100000xf32, #tpu.memory_space<vmem>>[vector<16xi32>], vector<16xf32>,
        %swap3A_228 = arith.index_cast %add3A_224 : i32 to index
        %swap3A_229 = tpu.vector_load %arg9[%swap3A_228] {strides = array<i32>} : memref<4096xf32, #tpu.memory_space<vmem>>, vector<16xf32>,
        tpu.vector_store %arg9[%swap3A_228], %gather3A_227 {strides = array<i32>} : memref<4096xf32, #tpu.memory_space<vmem>>, vector<16xf32>,
        %add3A_230 = arith.constant 192 : i32
        %add3A_231 = arith.addi %mul3A_148, %add3A_230 : i32
        %get3A_232 = arith.index_cast %add3A_231 : i32 to index
        %get3A_233 = tpu.vector_load %arg7[%get3A_232] {strides = array<i32>} : memref<4096xi32, #tpu.memory_space<vmem>>, vector<16xi32>,
        %gather3A_234 = tpu.vector_load_idx %arg5[%get3A_233] : memref<100000xf32, #tpu.memory_space<vmem>>[vector<16xi32>], vector<16xf32>,
        %swap3A_235 = arith.index_cast %add3A_231 : i32 to index
        %swap3A_236 = tpu.vector_load %arg9[%swap3A_235] {strides = array<i32>} : memref<4096xf32, #tpu.memory_space<vmem>>, vector<16xf32>,
        tpu.vector_store %arg9[%swap3A_235], %gather3A_234 {strides = array<i32>} : memref<4096xf32, #tpu.memory_space<vmem>>, vector<16xf32>,
        %add3A_237 = arith.constant 208 : i32
        %add3A_238 = arith.addi %mul3A_148, %add3A_237 : i32
        %get3A_239 = arith.index_cast %add3A_238 : i32 to index
        %get3A_240 = tpu.vector_load %arg7[%get3A_239] {strides = array<i32>} : memref<4096xi32, #tpu.memory_space<vmem>>, vector<16xi32>,
        %gather3A_241 = tpu.vector_load_idx %arg5[%get3A_240] : memref<100000xf32, #tpu.memory_space<vmem>>[vector<16xi32>], vector<16xf32>,
        %swap3A_242 = arith.index_cast %add3A_238 : i32 to index
        %swap3A_243 = tpu.vector_load %arg9[%swap3A_242] {strides = array<i32>} : memref<4096xf32, #tpu.memory_space<vmem>>, vector<16xf32>,
        tpu.vector_store %arg9[%swap3A_242], %gather3A_241 {strides = array<i32>} : memref<4096xf32, #tpu.memory_space<vmem>>, vector<16xf32>,
        %add3A_244 = arith.constant 224 : i32
        %add3A_245 = arith.addi %mul3A_148, %add3A_244 : i32
        %get3A_246 = arith.index_cast %add3A_245 : i32 to index
        %get3A_247 = tpu.vector_load %arg7[%get3A_246] {strides = array<i32>} : memref<4096xi32, #tpu.memory_space<vmem>>, vector<16xi32>,
        %gather3A_248 = tpu.vector_load_idx %arg5[%get3A_247] : memref<100000xf32, #tpu.memory_space<vmem>>[vector<16xi32>], vector<16xf32>,
        %swap3A_249 = arith.index_cast %add3A_245 : i32 to index
        %swap3A_250 = tpu.vector_load %arg9[%swap3A_249] {strides = array<i32>} : memref<4096xf32, #tpu.memory_space<vmem>>, vector<16xf32>,
        tpu.vector_store %arg9[%swap3A_249], %gather3A_248 {strides = array<i32>} : memref<4096xf32, #tpu.memory_space<vmem>>, vector<16xf32>,
        %add3A_251 = arith.constant 240 : i32
        %add3A_252 = arith.addi %mul3A_148, %add3A_251 : i32
        %get3A_253 = arith.index_cast %add3A_252 : i32 to index
        %get3A_254 = tpu.vector_load %arg7[%get3A_253] {strides = array<i32>} : memref<4096xi32, #tpu.memory_space<vmem>>, vector<16xi32>,
        %gather3A_255 = tpu.vector_load_idx %arg5[%get3A_254] : memref<100000xf32, #tpu.memory_space<vmem>>[vector<16xi32>], vector<16xf32>,
        %swap3A_256 = arith.index_cast %add3A_252 : i32 to index
        %swap3A_257 = tpu.vector_load %arg9[%swap3A_256] {strides = array<i32>} : memref<4096xf32, #tpu.memory_space<vmem>>, vector<16xf32>,
        tpu.vector_store %arg9[%swap3A_256], %gather3A_255 {strides = array<i32>} : memref<4096xf32, #tpu.memory_space<vmem>>, vector<16xf32>,
      }
      %scan3A_127 = arith.constant 16 : i32
      %dma_start3A_128 = arith.constant 12288 : i32
      %dma_start3A_129 = tpu.memref_slice %arg4[%add3A_9, %dma_start3A_128] : memref<832x16384xf32, #tpu.memory_space<hbm>> -> memref<1x4096xf32, #tpu.memory_space<hbm>>
      %dma_start3A_130 = tpu.memref_squeeze %dma_start3A_129 : memref<1x4096xf32, #tpu.memory_space<hbm>> -> memref<4096xf32, #tpu.memory_space<hbm>>
      %dma_start3A_131 = arith.constant 12288 : i32
      %dma_start3A_132 = tpu.memref_slice %arg4[%add3A_9, %dma_start3A_131] : memref<832x16384xf32, #tpu.memory_space<hbm>> -> memref<1x4096xf32, #tpu.memory_space<hbm>>
      %dma_start3A_133 = tpu.memref_squeeze %dma_start3A_132 : memref<1x4096xf32, #tpu.memory_space<hbm>> -> memref<4096xf32, #tpu.memory_space<hbm>>
      tpu.enqueue_dma source(%arg9 : memref<4096xf32, #tpu.memory_space<vmem>>) target(%dma_start3A_133 : memref<4096xf32, #tpu.memory_space<hbm>>) target_semaphore(%arg13 : memref<!tpu.dma_semaphore, #tpu.memory_space<semaphore_mem>>)
      %dma_wait3A_134 = arith.constant 8192 : i32
      %dma_wait3A_135 = tpu.memref_slice %arg4[%add3A_9, %dma_wait3A_134] : memref<832x16384xf32, #tpu.memory_space<hbm>> -> memref<1x4096xf32, #tpu.memory_space<hbm>>
      %dma_wait3A_136 = tpu.memref_squeeze %dma_wait3A_135 : memref<1x4096xf32, #tpu.memory_space<hbm>> -> memref<4096xf32, #tpu.memory_space<hbm>>
      %dma_wait3A_137 = arith.constant 8192 : i32
      %dma_wait3A_138 = tpu.memref_slice %arg4[%add3A_9, %dma_wait3A_137] : memref<832x16384xf32, #tpu.memory_space<hbm>> -> memref<1x4096xf32, #tpu.memory_space<hbm>>
      %dma_wait3A_139 = tpu.memref_squeeze %dma_wait3A_138 : memref<1x4096xf32, #tpu.memory_space<hbm>> -> memref<4096xf32, #tpu.memory_space<hbm>>
      tpu.wait_dma2 semaphore(%arg12 : memref<!tpu.dma_semaphore, #tpu.memory_space<semaphore_mem>>) src(%arg8 : memref<4096xf32, #tpu.memory_space<vmem>>) dst(%dma_wait3A_139 : memref<4096xf32, #tpu.memory_space<hbm>>)
      %dma_wait3A_140 = arith.constant 12288 : i32
      %dma_wait3A_141 = tpu.memref_slice %arg4[%add3A_9, %dma_wait3A_140] : memref<832x16384xf32, #tpu.memory_space<hbm>> -> memref<1x4096xf32, #tpu.memory_space<hbm>>
      %dma_wait3A_142 = tpu.memref_squeeze %dma_wait3A_141 : memref<1x4096xf32, #tpu.memory_space<hbm>> -> memref<4096xf32, #tpu.memory_space<hbm>>
      %dma_wait3A_143 = arith.constant 12288 : i32
      %dma_wait3A_144 = tpu.memref_slice %arg4[%add3A_9, %dma_wait3A_143] : memref<832x16384xf32, #tpu.memory_space<hbm>> -> memref<1x4096xf32, #tpu.memory_space<hbm>>
      %dma_wait3A_145 = tpu.memref_squeeze %dma_wait3A_144 : memref<1x4096xf32, #tpu.memory_space<hbm>> -> memref<4096xf32, #tpu.memory_space<hbm>>
      tpu.wait_dma2 semaphore(%arg13 : memref<!tpu.dma_semaphore, #tpu.memory_space<semaphore_mem>>) src(%arg9 : memref<4096xf32, #tpu.memory_space<vmem>>) dst(%dma_wait3A_145 : memref<4096xf32, #tpu.memory_space<hbm>>)
    }
    %scan3A_5 = arith.constant 26 : i32
    return
  }
}

</mosaic_0001>

<sc_bundles>
// kernel: kernel.3.cloned.1.call-start
scs
__scs_entry_jumppad:
0x0: {  	(pc) =	sbr.rel $0x88, $3  }
0x1: {  	(tag) =	ssettag $0x0;
	lr =	simm.s32 $0x1  }
0x2: {  	[smem:$0x3F9F] =	sst lr;
	_ =	strace $0xD0000000  }
0x3: {  	_ = 	snop  }
0x4: {  	_ = 	snop  }
0x5: {  	_ = 	snop  }
0x6: {  	_ = 	snop  }
0x7: {  	_ = 	snop  }
__scs_overlays_trampoline_lowered:
0x8: {  	[smem:$0x3FAE] =	sst s0  }
0x9: {  	[smem:$0x3FAF] =	sst s1  }
0xa: {  	[smem:$0x3FB0] =	sst s2  }
0xb: {  	[smem:$0x3FB1] =	sst s3  }
0xc: {  	[smem:$0x3FB2] =	sst s4  }
0xd: {  	[smem:$0x3FB3] =	sst s5  }
0xe: {  	[smem:$0x3FB4] =	sst s6  }
0xf: {  	[smem:$0x3FB5] =	sst s7  }
0x10: {  	[smem:$0x3FB6] =	sst s8  }
0x11: {  	[smem:$0x3FB7] =	sst s9;
	s0 =	simm.s32 @!p0 $0x0  }
0x12: {  	s1 =	sld [smem:$0x3F9D];
	s0 =	simm.s32 @p0 $0x1  }
0x13: {  	[smem:$0x3FB8] =	sst s0;
	s0 =	simm.s32 @!p1 $0x0  }
0x14: {  	s2 =	sld [smem:$0x3F9C];
	s0 =	simm.s32 @p1 $0x1  }
0x15: {  	[smem:$0x3FB9] =	sst s0;
	s0 =	simm.s32 @!p2 $0x0  }
0x16: {  	s3 =	sld [smem:$0x3FDB];
	s0 =	simm.s32 @p2 $0x1  }
0x17: {  	s4 =	simm.s32 $0x1BF5;
	[smem:$0x3FBB] =	sst s0  }
0x18: {  	s0 =	sld [smem:$0x3F9E];
	_ =	swait.ge [sflag:s4], $0x0  }
0x19: {  	s7 =	sld [smem:$0x3F9F]  }
0x1a: {  	s8 =	sadd.s32 $0xFFFFE003, lr  }
0x1b: {  	s9 =	sadd.s32 $0xFFFFFEF7, lr;
	s5 =	simm.s32 $0xFFFFFFFF;
	p2 =	slt.u32 s8, $0xFFFFF086  }
0x1c: {  	p1 =	slt.u32 s9, $0xF7A;
	s5 =	simm.s32 @!p2 $0x0  }
0x1d: {  	s5 =	simm.s32 @p1 $0x1;
	p0 =	seq.s32 s7, s2  }
0x1e: {  	s7 =	smul.u32 @!p0 $0xF7A, s2;
	p2 =	seq.s32 @!p0 s5, $0x0  }
0x1f: {  	s9 =	smul.u32 $0xF7A, s1;
	s8 =	simm.s32 @!p0 $0x1BF5;
	p2 =	por !p2, p0  }
0x20: {  	[sflag:s8] =	ssyncset.s32 @!p0 $0xFFFFF086;
	s6 =	sadd.s32 @!p0 s3, s7;
	s7 =	simm.s32 @!p0 $0x108  }
0x21: {  	s3 =	sadd.s32 s3, s9;
	s6 =	sadd.s32 @!p0 $0x88, s6;
	s7 =	simm.s32 @p2 $0x1082  }
0x22: {  	[simem:s7], [sflag:s8] =	dma.local @!p0 [hbm:s6], $0xF7A  }
0x23: {  	s9 =	sor.u32 $0xD0000000, s2;
	s6 =	simm.s32 $0x108;
	_ =	swait.ge @!p0 [sflag:s8], $0x0  }
0x24: {  	s3 =	sadd.s32 $0x88, s3;
	s6 =	simm.s32 @!p1 $0x1082;
	[sflag:s4] =	ssyncset.s32 $0xFFFFF086  }
0x25: {  	[simem:s6], [sflag:s4] =	dma.local [hbm:s3], $0xF7A  }
0x26: {  	[smem:$0x3F9F] =	sst s1;
	(tag) =	ssettag s2;
	_ =	strace s9  }
0x27: {  	s1 =	sld [smem:$0x3FAF]  }
0x28: {  	s2 =	sld [smem:$0x3FB0]  }
0x29: {  	s4 =	sld [smem:$0x3FB2]  }
0x2a: {  	p0 =	seq.s32 s5, $0x0;
	s5 =	sld [smem:$0x3FB3]  }
0x2b: {  	s6 =	sld [smem:$0x3FB4]  }
0x2c: {  	s7 =	sld [smem:$0x3FB5]  }
0x2d: {  	s3 =	simm.s32 $0x108;
	s8 =	sld [smem:$0x3FB6]  }
0x2e: {  	s3 =	simm.s32 @!p0 $0x1082;
	s9 =	sld [smem:$0x3FB7]  }
0x2f: {  	lr =	sadd.s32 s0, s3;
	s0 =	sld [smem:$0x3FAE]  }
0x30: {  	s3 =	sld [smem:$0x3FB1]  }
0x31: {  	[smem:$0x3FBA] =	sst s10  }
0x32: {  	s10 =	sld [smem:$0x3FB8];
	_ =	sdelay $0x3  }
0x33: {  	p0 =	seq.s32 s10, $0x1;
	s10 =	sld [smem:$0x3FBA];
	_ =	sdelay $0x3  }
0x34: {  	[smem:$0x3FBA] =	sst s10  }
0x35: {  	s10 =	sld [smem:$0x3FB9];
	_ =	sdelay $0x3  }
0x36: {  	p1 =	seq.s32 s10, $0x1;
	s10 =	sld [smem:$0x3FBA];
	_ =	sdelay $0x3  }
0x37: {  	[smem:$0x3FBA] =	sst s10  }
0x38: {  	s10 =	sld [smem:$0x3FBB]  }
0x39: {  	_ = 	snop;
	(pc) =	sbr.ind lr, $3  }
0x3a: {  	_ = 	snop  }
0x3b: {  	_ = 	snop  }
0x3c: {  	p2 =	seq.s32 s10, $0x1;
	s10 =	sld [smem:$0x3FBA]  }
0x3d: {  	_ =	shalt  }
0x3e: {  	_ =	shalt  }
0x3f: {  	_ =	shalt  }
0x40: {  	_ =	shalt  }
0x41: {  	_ =	shalt  }
0x42: {  	_ =	shalt  }
0x43: {  	_ =	shalt  }
0x44: {  	_ =	shalt  }
0x45: {  	_ =	shalt  }
0x46: {  	_ =	shalt  }
0x47: {  	_ =	shalt  }
0x48: {  	_ =	shalt  }
0x49: {  	_ =	shalt  }
0x4a: {  	_ =	shalt  }
0x4b: {  	_ =	shalt  }
0x4c: {  	_ =	shalt  }
0x4d: {  	_ =	shalt  }
0x4e: {  	_ =	shalt  }
0x4f: {  	_ =	shalt  }
0x50: {  	_ =	shalt  }
0x51: {  	_ =	shalt  }
0x52: {  	_ =	shalt  }
0x53: {  	_ =	shalt  }
0x54: {  	_ =	shalt  }
0x55: {  	_ =	shalt  }
0x56: {  	_ =	shalt  }
0x57: {  	_ =	shalt  }
0x58: {  	_ =	shalt  }
0x59: {  	_ =	shalt  }
0x5a: {  	_ =	shalt  }
0x5b: {  	_ =	shalt  }
0x5c: {  	_ =	shalt  }
0x5d: {  	_ =	shalt  }
0x5e: {  	_ =	shalt  }
0x5f: {  	_ =	shalt  }
0x60: {  	_ =	shalt  }
0x61: {  	_ =	shalt  }
0x62: {  	_ =	shalt  }
0x63: {  	_ =	shalt  }
0x64: {  	_ =	shalt  }
0x65: {  	_ =	shalt  }
0x66: {  	_ =	shalt  }
0x67: {  	_ =	shalt  }
0x68: {  	_ =	shalt  }
0x69: {  	_ =	shalt  }
0x6a: {  	_ =	shalt  }
0x6b: {  	_ =	shalt  }
0x6c: {  	_ =	shalt  }
0x6d: {  	_ =	shalt  }
0x6e: {  	_ =	shalt  }
0x6f: {  	_ =	shalt  }
0x70: {  	_ =	shalt  }
0x71: {  	_ =	shalt  }
0x72: {  	_ =	shalt  }
0x73: {  	_ =	shalt  }
0x74: {  	_ =	shalt  }
0x75: {  	_ =	shalt  }
0x76: {  	_ =	shalt  }
0x77: {  	_ =	shalt  }
0x78: {  	_ =	shalt  }
0x79: {  	_ =	shalt  }
0x7a: {  	_ =	shalt  }
0x7b: {  	_ =	shalt  }
0x7c: {  	_ =	shalt  }
0x7d: {  	_ =	shalt  }
0x7e: {  	_ =	shalt  }
0x7f: {  	_ =	shalt  }
0x80: {  	_ =	shalt  }
0x81: {  	_ =	shalt  }
0x82: {  	_ =	shalt  }
0x83: {  	_ =	shalt  }
0x84: {  	_ =	shalt  }
0x85: {  	_ =	shalt  }
0x86: {  	_ =	shalt  }
0x87: {  	_ =	shalt  }
.Lfunc_end0:
.L_simem_size_0:
called_computation_lowered:
.L_overlay_start_0:
0x88: {  	s2 =	sld [smem:$0x3FD9]  }
0x89: {  	s3 =	sld [smem:$0x3FFE];
	_ =	sdelay $0x1  }
0x8a: {  	s1 =	srdreg.scid  }
0x8b: {  	s0 =	sand.u32 $0x1, s1  }
0x8c: {  	s18 =	sshll.u32 s0, $0xA;
	s2 =	sadd.s32 s3, s2  }
0x8d: {  	s2 =	sadd.s32 s2, s18  }
0x8e: {  	[smem:$0x3FC6] =	sst s2  }
0x8f: {  	_ = 	snop  }
0x90: {  	s2 =	sld [smem:$0x3FC9]  }
0x91: {  	s19 =	sld [smem:$0x3FC8]  }
0x92: {  	s4 =	sld [smem:$0x3FD0];
	(tm) =	ssettm $0x1  }
0x93: {  	s5 =	sld [smem:$0x3FFB];
	_ =	sdelay $0x3  }
0x94: {  	_ =	strace s5  }
0x95: {  	s5 =	sld [smem:$0x3FFC];
	_ =	sdelay $0x3  }
0x96: {  	_ =	strace s5  }
0x97: {  	s5 =	sld [smem:$0x3FFD];
	_ =	sdelay $0x3  }
0x98: {  	_ =	strace s5  }
0x99: {  	_ =	strace $0x8FFFFFFF  }
0x9a: {  	s20 =	sld [smem:$0x3FDB];
	_ =	sdelay $0x1  }
0x9b: {  	s6 =	simm.s32 $_scs_section_size  }
0x9c: {  	s7 =	simm.s32 $_size__tile_overlayer_lowered;
	s8 =	simm.s32 $_tile_overlayer_lowered  }
0x9d: {  	s23 =	simm.s32 $0x1BFF;
	s22 =	sshll.u32 s8, $0x1;
	s5 =	sadd.s32 s6, s20  }
0x9e: {  	s9 =	simm.s32 $0x0;
	s21 =	sshll.u32 s7, $0x1;
	s7 =	sadd.s32 s22, s5  }
0x9f: {  	[timem:s9], [sflag:s23] =	dma.local [hbm:s7], s21  }
0xa0: {  	_ =	swait.ge [sflag:s23], s21  }
0xa1: {  	s6 =	ssub.s32 $0x0, s21;
	[sflag:s23] =	ssyncset.done $0x0  }
0xa2: {  	[sflag:s23] =	ssyncadd.s32 s6;
	_ =	sdelay $0x1  }
0xa3: {  	s24 =	simm.s32 $0x1B8B  }
0xa4: {  	_ =	swait.ge [sflag:s24], $0x1  }
0xa5: {  	[sflag:s24] =	ssyncset.done $0x0  }
0xa6: {  	s25 =	simm.s32 $0x1B8E;
	[sflag:s24] =	ssyncadd.s32 $0xFFFFFFFF  }
0xa7: {  	s26 =	simm.s32 $execute0_lowered;
	[smem:$0x3FD2] =	sst s25  }
0xa8: {  	s6 =	sshll.u32 s26, $0x1;
	_ =	strace $0x80000046;
	[dreg:$0x1] =	wrdreg $0xFFFFFFFF  }
0xa9: {  	s28 =	simm.s32 $_size_execute0_lowered;
	s5 =	sadd.s32 s5, s6;
	[dreg:$0x0] =	wrdreg $0x0  }
0xaa: {  	s6 =	sshll.u32 s28, $0x1;
	[dreg:$0x2] =	wrdreg s5  }
0xab: {  	[dreg:$0x3] =	wrdreg s6  }
0xac: {  	[dreg:$0x4] =	wrdreg $0xC0  }
0xad: {  	_ =	task [dreg:s9], $0x5FFFF  }
0xae: {  	[dreg:$0x1] =	wrdreg $0xFFFFFFFF  }
0xaf: {  	[dreg:$0x0] =	wrdreg $0x60  }
0xb0: {  	[dreg:$0x2] =	wrdreg s2  }
0xb1: {  	[dreg:$0x3] =	wrdreg s19  }
0xb2: {  	[dreg:$0x4] =	wrdreg s4  }
0xb3: {  	[dreg:$0x5] =	wrdreg $0x9  }
0xb4: {  	_ =	task.clear_ibuf [dreg:s9], $0x6FFFF;
	_ =	strace $0x90000046  }
0xb5: {  	s29 =	simm.s32 $0x9;
	_ =	strace $0x80000048  }
0xb6: {  	_ =	swait.ge [sflag:s29], $0x1  }
0xb7: {  	[sflag:s29] =	ssyncadd.s32 $0xFFFFFFFF  }
0xb8: {  	_ =	strace $0x90000048  }
0xb9: {  	_ =	sfence  }
0xba: {  	s30 =	sld [smem:$0x0];
	_ =	sdelay $0x2  }
0xbb: {  	s31 =	sshll.u32 s1, $0xD;
	s1 =	sshrl.u32 s1, $0x2  }
0xbc: {  	s3 =	sand.u32 $0x4000, s31;
	s1 =	sadd.s32 s1, s30  }
0xbd: {  	s0 =	sor.u32 s3, s0;
	s1 =	sshll.u32 s1, $0x11  }
0xbe: {  	s0 =	sor.u32 s1, s0  }
0xbf: {  	s0 =	sadd.s32 $0x8F2B, s0  }
0xc0: {  	[sflag:s0] =	ssyncadd.remote.s32 $0x1  }
0xc1: {  	_ =	sfence.sel $0xFFFF  }
0xc2: {  	[dreg:$0x0] =	wrdreg $0xFFFFFFFF;
	(pc) =	sbr.abs _section_cstart, $3  }
0xc3: {  	[dreg:$0x1] =	wrdreg $0xFFFFFFFF  }
0xc4: {  	_ =	task.clear_ibuf [dreg:s9], $0x2FFFF;
	_ =	strace $0x9FFFFFFF  }
0xc5: {  	(tm) =	ssettm $0x7FFFFFFF  }
tec
execute0_lowered:
.L_overlay_start_1:
0x0: {  	(tag) =	ssettag $0x1  }
0x1: {  	s1 =	rddreg [dreg:$0x0]  }
0x2: {  	s2 =	rddreg [dreg:$0x1]  }
0x3: {  	s4 =	rddreg [dreg:$0x2];
	s0 =	srdreg.scid  }
0x4: {  	s5 =	simm.s32 $0x0;
	s3 =	stileid.u32;
	s14 =	simm.s32 $0x80  }
0x5: {  	s15 =	simm.s32 $0x400;
	s16 =	simm.s32 $0x18700;
	s17 =	simm.s32 $0x5  }
0x6: {  	s18 =	simm.s32 $0x1;
	s19 =	simm.s32 $0x19700;
	s20 =	simm.s32 $0x1A700  }
0x7: {  	s21 =	simm.s32 $0x2;
	s22 =	simm.s32 $0x1B700;
	s23 =	simm.s32 $0x3  }
0x8: {  	s24 =	simm.s32 $0x4;
	s25 =	simm.s32 $0x0;
	s0 =	sand.u32 $0x1, s0  }
0x9: {  	[smem:$0x7FF] =	sst s5;
	s7 =	sshll.u32 s3, $0x1;
	s9 =	sadd.s32 $0x1000, s4  }
0xa: {  	s10 =	sadd.s32 $0x3000, s1;
	s11 =	sadd.s32 $0x2000, s4;
	s6 =	ssub.s32 $0x2, s0  }
0xb: {  	s12 =	sadd.s32 $0x3000, s4;
	_ =	strace $0x80000047;
	s8 =	sshrl.u32 s6, $0x1  }
0xc: {  	s0 =	sor.u32 s0, s7;
	s7 =	sadd.s32 $0x1000, s1;
	s13 =	ssub.s32 s6, s8  }
0xd: {  	s6 =	smul.u32 $0x1A, s0;
	s8 =	sadd.s32 $0x2000, s1;
	s13 =	smax.u32 s13, $0x1  }
.LBB2_1:
0xe: {  	s26 =	simm.s32 $0x0  }
.LBB2_2:
0xf: {  	s28 =	sadd.s32 s6, s26  }
0x10: {  	s0 =	sshll.u32 s28, $0x6;
	s29 =	sshrl.u32 s28, $0x1  }
0x11: {  	s0 =	sand.u32 $0xFFFC000, s0;
	s29 =	sand.u32 $0x70, s29  }
0x12: {  	s30 =	sand.u32 $0x18, s28;
	s29 =	sor.u32 s29, s0  }
0x13: {  	s30 =	sshrl.u32 s30, $0x3;
	s0 =	sadd.s32 s1, s29  }
0x14: {  	[tilespmem:s16], [sflag:$0x1] =	stream.strided.gather [hbm4b:s0+s14], $0x1000, s15, s14, $0x38;
	[tilespmem:$0x1C700] =	vst v63  }
0x15: {  	s30 =	smul.u32 $0xC3800, s30;
	s0 =	sshrl.u32 s28, $0x5  }
0x16: {  	s0 =	smul.u32 $0x30E000, s0  }
0x17: {  	s31 =	sshll.u32 s28, $0x7  }
0x18: {  	s0 =	sadd.s32 s0, s30;
	s30 =	sand.u32 $0x380, s31  }
0x19: {  	s0 =	sor.u32 s30, s0  }
0x1a: {  	s0 =	sshrl.u32 s0, $0x3  }
0x1b: {  	s30 =	simm.s32 $0x0;
	s0 =	sadd.s32 s2, s0  }
0x1c: {  	[tilespmem:s30], [sflag:$0x5] =	stream.strided.gather [hbm4b:s0+s14], $0x18700, s15, s14, $0x38;
	[tilespmem:$0x1C700] =	vst v63  }
0x1d: {  	_ =	swait.ge [sflag:s17], $0x18700  }
0x1e: {  	[sflag:s17] =	ssyncset.done $0x0  }
0x1f: {  	[sflag:s17] =	ssyncadd.s32 $0xFFFE7900  }
0x20: {  	_ =	swait.ge [sflag:s18], $0x1000  }
0x21: {  	[sflag:s18] =	ssyncset.done $0x0  }
0x22: {  	s0 =	sadd.s32 s29, s7;
	s30 =	simm.s32 $0x0;
	[sflag:s18] =	ssyncadd.s32 $0xFFFFF000  }
0x23: {  	[tilespmem:s19], [sflag:$0x2] =	stream.strided.gather [hbm4b:s0+s14], $0x1000, s15, s14, $0x38;
	[tilespmem:$0x1C700] =	vst v63  }
0x24: {  	v0 =	vld [tilespmem:s30+$0x18700];
	_ =	sdelay $0x5  }
0x25: {  	v1 =	vld [tilespmem:s30+$0x18710];
	_ =	sdelay $0x1  }
0x26: {  	v0 =	vld.idx.msk [tilespmem:v0+s5+$0x0], $0xffff;
	_ =	sdelay $0x4  }
0x27: {  	[tilespmem:s30+$0x1A700] =	vst v0;
	v0 =	vld [tilespmem:s30+$0x18720]  }
0x28: {  	v1 =	vld.idx.msk [tilespmem:v1+s5+$0x0], $0xffff;
	_ =	sdelay $0x4  }
0x29: {  	[tilespmem:s30+$0x1A710] =	vst v1;
	v1 =	vld [tilespmem:s30+$0x18730];
	_ =	sdelay $0x1  }
0x2a: {  	v0 =	vld.idx.msk [tilespmem:v0+s5+$0x0], $0xffff;
	_ =	sdelay $0x4  }
0x2b: {  	[tilespmem:s30+$0x1A720] =	vst v0;
	v0 =	vld [tilespmem:s30+$0x18740]  }
0x2c: {  	v1 =	vld.idx.msk [tilespmem:v1+s5+$0x0], $0xffff;
	_ =	sdelay $0x4  }
0x2d: {  	[tilespmem:s30+$0x1A730] =	vst v1;
	v1 =	vld [tilespmem:s30+$0x18750];
	_ =	sdelay $0x1  }
0x2e: {  	v0 =	vld.idx.msk [tilespmem:v0+s5+$0x0], $0xffff;
	_ =	sdelay $0x4  }
0x2f: {  	[tilespmem:s30+$0x1A740] =	vst v0;
	v0 =	vld [tilespmem:s30+$0x18760]  }
0x30: {  	v1 =	vld.idx.msk [tilespmem:v1+s5+$0x0], $0xffff;
	_ =	sdelay $0x4  }
0x31: {  	[tilespmem:s30+$0x1A750] =	vst v1;
	v1 =	vld [tilespmem:s30+$0x18770];
	_ =	sdelay $0x1  }
0x32: {  	v0 =	vld.idx.msk [tilespmem:v0+s5+$0x0], $0xffff;
	_ =	sdelay $0x4  }
0x33: {  	[tilespmem:s30+$0x1A760] =	vst v0;
	v0 =	vld [tilespmem:s30+$0x18780]  }
0x34: {  	v1 =	vld.idx.msk [tilespmem:v1+s5+$0x0], $0xffff;
	_ =	sdelay $0x4  }
0x35: {  	[tilespmem:s30+$0x1A770] =	vst v1;
	v1 =	vld [tilespmem:s30+$0x18790];
	_ =	sdelay $0x1  }
0x36: {  	v0 =	vld.idx.msk [tilespmem:v0+s5+$0x0], $0xffff;
	_ =	sdelay $0x4  }
0x37: {  	[tilespmem:s30+$0x1A780] =	vst v0;
	v0 =	vld [tilespmem:s30+$0x187A0]  }
0x38: {  	v1 =	vld.idx.msk [tilespmem:v1+s5+$0x0], $0xffff;
	_ =	sdelay $0x4  }
0x39: {  	[tilespmem:s30+$0x1A790] =	vst v1;
	v1 =	vld [tilespmem:s30+$0x187B0];
	_ =	sdelay $0x1  }
0x3a: {  	v0 =	vld.idx.msk [tilespmem:v0+s5+$0x0], $0xffff;
	_ =	sdelay $0x4  }
0x3b: {  	[tilespmem:s30+$0x1A7A0] =	vst v0;
	v0 =	vld [tilespmem:s30+$0x187C0]  }
0x3c: {  	v1 =	vld.idx.msk [tilespmem:v1+s5+$0x0], $0xffff;
	_ =	sdelay $0x4  }
0x3d: {  	[tilespmem:s30+$0x1A7B0] =	vst v1;
	v1 =	vld [tilespmem:s30+$0x187D0];
	_ =	sdelay $0x1  }
0x3e: {  	v0 =	vld.idx.msk [tilespmem:v0+s5+$0x0], $0xffff;
	_ =	sdelay $0x4  }
0x3f: {  	v2 =	vld [tilespmem:s30+$0x187E0];
	[tilespmem:s30+$0x1A7C0] =	vst v0  }
0x40: {  	v0 =	vld.idx.msk [tilespmem:v1+s5+$0x0], $0xffff;
	_ =	sdelay $0x4  }
0x41: {  	[tilespmem:s30+$0x1A7D0] =	vst v0;
	v0 =	vld [tilespmem:s30+$0x187F0];
	_ =	sdelay $0x1  }
0x42: {  	v1 =	vld.idx.msk [tilespmem:v2+s5+$0x0], $0xffff;
	_ =	sdelay $0x3  }
0x43: {  	s31 =	simm.s32 $0x800;
	s0 =	simm.s32 $0x100  }
.LBB2_3:
0x44: {  	p0 =	sne.s32 s31, $0x3C00;
	v2 =	vld [tilespmem:s0+$0x18700];
	[tilespmem:s30+$0x1A7E0] =	vst v1  }
0x45: {  	v0 =	vld.idx.msk [tilespmem:v0+s5+$0x0], $0xffff;
	_ =	sdelay $0x5  }
0x46: {  	v1 =	vld [tilespmem:s0+$0x18710];
	[tilespmem:s30+$0x1A7F0] =	vst v0;
	s30 =	smov.u32 s0  }
0x47: {  	v0 =	vld.idx.msk [tilespmem:v2+s5+$0x0], $0xffff;
	_ =	sdelay $0x5  }
0x48: {  	[tilespmem:s30+$0x1A700] =	vst v0;
	v0 =	vld [tilespmem:s30+$0x18720]  }
0x49: {  	v1 =	vld.idx.msk [tilespmem:v1+s5+$0x0], $0xffff;
	_ =	sdelay $0x5  }
0x4a: {  	[tilespmem:s30+$0x1A710] =	vst v1;
	v1 =	vld [tilespmem:s30+$0x18730]  }
0x4b: {  	v0 =	vld.idx.msk [tilespmem:v0+s5+$0x0], $0xffff;
	_ =	sdelay $0x5  }
0x4c: {  	[tilespmem:s30+$0x1A720] =	vst v0;
	v0 =	vld [tilespmem:s30+$0x18740]  }
0x4d: {  	v1 =	vld.idx.msk [tilespmem:v1+s5+$0x0], $0xffff;
	_ =	sdelay $0x5  }
0x4e: {  	[tilespmem:s30+$0x1A730] =	vst v1;
	v1 =	vld [tilespmem:s30+$0x18750]  }
0x4f: {  	v0 =	vld.idx.msk [tilespmem:v0+s5+$0x0], $0xffff;
	_ =	sdelay $0x5  }
0x50: {  	[tilespmem:s30+$0x1A740] =	vst v0;
	v0 =	vld [tilespmem:s30+$0x18760]  }
0x51: {  	v1 =	vld.idx.msk [tilespmem:v1+s5+$0x0], $0xffff;
	_ =	sdelay $0x5  }
0x52: {  	[tilespmem:s30+$0x1A750] =	vst v1;
	v1 =	vld [tilespmem:s30+$0x18770]  }
0x53: {  	v0 =	vld.idx.msk [tilespmem:v0+s5+$0x0], $0xffff;
	_ =	sdelay $0x5  }
0x54: {  	[tilespmem:s30+$0x1A760] =	vst v0;
	v0 =	vld [tilespmem:s30+$0x18780]  }
0x55: {  	v1 =	vld.idx.msk [tilespmem:v1+s5+$0x0], $0xffff;
	_ =	sdelay $0x5  }
0x56: {  	[tilespmem:s30+$0x1A770] =	vst v1;
	v1 =	vld [tilespmem:s30+$0x18790]  }
0x57: {  	v0 =	vld.idx.msk [tilespmem:v0+s5+$0x0], $0xffff;
	_ =	sdelay $0x5  }
0x58: {  	[tilespmem:s30+$0x1A780] =	vst v0;
	v0 =	vld [tilespmem:s30+$0x187A0]  }
0x59: {  	v1 =	vld.idx.msk [tilespmem:v1+s5+$0x0], $0xffff;
	_ =	sdelay $0x5  }
0x5a: {  	[tilespmem:s30+$0x1A790] =	vst v1;
	v1 =	vld [tilespmem:s30+$0x187B0]  }
0x5b: {  	v0 =	vld.idx.msk [tilespmem:v0+s5+$0x0], $0xffff;
	_ =	sdelay $0x5  }
0x5c: {  	[tilespmem:s30+$0x1A7A0] =	vst v0;
	v0 =	vld [tilespmem:s30+$0x187C0]  }
0x5d: {  	v1 =	vld.idx.msk [tilespmem:v1+s5+$0x0], $0xffff;
	_ =	sdelay $0x5  }
0x5e: {  	[tilespmem:s30+$0x1A7B0] =	vst v1;
	v1 =	vld [tilespmem:s30+$0x187D0]  }
0x5f: {  	v0 =	vld.idx.msk [tilespmem:v0+s5+$0x0], $0xffff;
	_ =	sdelay $0x5  }
0x60: {  	[tilespmem:s30+$0x1A7C0] =	vst v0;
	v2 =	vld [tilespmem:s30+$0x187E0]  }
0x61: {  	v0 =	vld.idx.msk [tilespmem:v1+s5+$0x0], $0xffff;
	_ =	sdelay $0x5  }
0x62: {  	[tilespmem:s30+$0x1A7D0] =	vst v0;
	v0 =	vld [tilespmem:s30+$0x187F0]  }
0x63: {  	v1 =	vld.idx.msk [tilespmem:v2+s5+$0x0], $0xffff  }
.Ltmp0:
0x64: {  	(pc) =	sbr.rel @p0 .LBB2_3-.Ltmp0, $2  }
0x65: {  	_ =	sdelay $0x2  }
0x66: {  	s0 =	sshra.s32 s31, $0x2;
	s31 =	sadd.s32 $0x400, s31  }
0x67: {  	_ =	sdelay $0x1  }
0x68: {  	v2 =	vld [tilespmem:s0+$0x18700]  }
0x69: {  	[tilespmem:s30+$0x1A7E0] =	vst v1  }
0x6a: {  	v0 =	vld.idx.msk [tilespmem:v0+s5+$0x0], $0xffff;
	_ =	sdelay $0x3  }
0x6b: {  	v1 =	vld [tilespmem:s0+$0x18710]  }
0x6c: {  	[tilespmem:s30+$0x1A7F0] =	vst v0  }
0x6d: {  	v0 =	vld.idx.msk [tilespmem:v2+s5+$0x0], $0xffff;
	_ =	sdelay $0x4  }
0x6e: {  	[tilespmem:s0+$0x1A700] =	vst v0;
	v0 =	vld [tilespmem:s0+$0x18720]  }
0x6f: {  	v1 =	vld.idx.msk [tilespmem:v1+s5+$0x0], $0xffff;
	_ =	sdelay $0x4  }
0x70: {  	[tilespmem:s0+$0x1A710] =	vst v1;
	v1 =	vld [tilespmem:s0+$0x18730];
	_ =	sdelay $0x1  }
0x71: {  	v0 =	vld.idx.msk [tilespmem:v0+s5+$0x0], $0xffff;
	_ =	sdelay $0x4  }
0x72: {  	[tilespmem:s0+$0x1A720] =	vst v0;
	v0 =	vld [tilespmem:s0+$0x18740]  }
0x73: {  	v1 =	vld.idx.msk [tilespmem:v1+s5+$0x0], $0xffff;
	_ =	sdelay $0x4  }
0x74: {  	[tilespmem:s0+$0x1A730] =	vst v1;
	v1 =	vld [tilespmem:s0+$0x18750];
	_ =	sdelay $0x1  }
0x75: {  	v0 =	vld.idx.msk [tilespmem:v0+s5+$0x0], $0xffff;
	_ =	sdelay $0x4  }
0x76: {  	[tilespmem:s0+$0x1A740] =	vst v0;
	v0 =	vld [tilespmem:s0+$0x18760]  }
0x77: {  	v1 =	vld.idx.msk [tilespmem:v1+s5+$0x0], $0xffff;
	_ =	sdelay $0x4  }
0x78: {  	[tilespmem:s0+$0x1A750] =	vst v1;
	v1 =	vld [tilespmem:s0+$0x18770];
	_ =	sdelay $0x1  }
0x79: {  	v0 =	vld.idx.msk [tilespmem:v0+s5+$0x0], $0xffff;
	_ =	sdelay $0x4  }
0x7a: {  	[tilespmem:s0+$0x1A760] =	vst v0;
	v0 =	vld [tilespmem:s0+$0x18780]  }
0x7b: {  	v1 =	vld.idx.msk [tilespmem:v1+s5+$0x0], $0xffff;
	_ =	sdelay $0x4  }
0x7c: {  	[tilespmem:s0+$0x1A770] =	vst v1;
	v1 =	vld [tilespmem:s0+$0x18790];
	_ =	sdelay $0x1  }
0x7d: {  	v0 =	vld.idx.msk [tilespmem:v0+s5+$0x0], $0xffff;
	_ =	sdelay $0x4  }
0x7e: {  	[tilespmem:s0+$0x1A780] =	vst v0;
	v0 =	vld [tilespmem:s0+$0x187A0]  }
0x7f: {  	v1 =	vld.idx.msk [tilespmem:v1+s5+$0x0], $0xffff;
	_ =	sdelay $0x4  }
0x80: {  	[tilespmem:s0+$0x1A790] =	vst v1;
	v1 =	vld [tilespmem:s0+$0x187B0];
	_ =	sdelay $0x1  }
0x81: {  	v0 =	vld.idx.msk [tilespmem:v0+s5+$0x0], $0xffff;
	_ =	sdelay $0x4  }
0x82: {  	[tilespmem:s0+$0x1A7A0] =	vst v0;
	v0 =	vld [tilespmem:s0+$0x187C0]  }
0x83: {  	v1 =	vld.idx.msk [tilespmem:v1+s5+$0x0], $0xffff;
	_ =	sdelay $0x4  }
0x84: {  	[tilespmem:s0+$0x1A7B0] =	vst v1;
	v1 =	vld [tilespmem:s0+$0x187D0];
	_ =	sdelay $0x1  }
0x85: {  	v0 =	vld.idx.msk [tilespmem:v0+s5+$0x0], $0xffff;
	_ =	sdelay $0x4  }
0x86: {  	[tilespmem:s0+$0x1A7C0] =	vst v0;
	v0 =	vld [tilespmem:s0+$0x187E0]  }
0x87: {  	v1 =	vld.idx.msk [tilespmem:v1+s5+$0x0], $0xffff;
	_ =	sdelay $0x4  }
0x88: {  	[tilespmem:s0+$0x1A7D0] =	vst v1;
	v1 =	vld [tilespmem:s0+$0x187F0];
	_ =	sdelay $0x1  }
0x89: {  	v0 =	vld.idx.msk [tilespmem:v0+s5+$0x0], $0xffff;
	_ =	sdelay $0x4  }
0x8a: {  	[tilespmem:s0+$0x1A7E0] =	vst v0  }
0x8b: {  	v0 =	vld.idx.msk [tilespmem:v1+s5+$0x0], $0xffff;
	_ =	sdelay $0x1  }
0x8c: {  	s30 =	sshll.u32 s28, $0xB;
	s28 =	sshll.u32 s28, $0x4  }
0x8d: {  	s30 =	sand.u32 $0xFFFC000, s30;
	s28 =	sand.u32 $0x70, s28  }
0x8e: {  	s28 =	sor.u32 s28, s30  }
0x8f: {  	[tilespmem:s0+$0x1A7F0] =	vst v0;
	s0 =	sadd.s32 s4, s28  }
0x90: {  	[hbm4b:s0+s14] =	stream.strided.scatter [tilespmem:s20], [sflag:$0x3], $0x1000, s15, s14, $0x38;
	[tilespmem:$0x1C700] =	vst v63  }
0x91: {  	_ =	swait.ge [sflag:s21], $0x1000  }
0x92: {  	[sflag:s21] =	ssyncset.done $0x0  }
0x93: {  	s30 =	simm.s32 $0x0;
	s0 =	sadd.s32 s29, s8;
	[sflag:s21] =	ssyncadd.s32 $0xFFFFF000  }
0x94: {  	[tilespmem:s16], [sflag:$0x1] =	stream.strided.gather [hbm4b:s0+s14], $0x1000, s15, s14, $0x38;
	[tilespmem:$0x1C700] =	vst v63  }
0x95: {  	v0 =	vld [tilespmem:s30+$0x19700];
	_ =	sdelay $0x5  }
0x96: {  	v1 =	vld [tilespmem:s30+$0x19710];
	_ =	sdelay $0x1  }
0x97: {  	v0 =	vld.idx.msk [tilespmem:v0+s5+$0x0], $0xffff;
	_ =	sdelay $0x4  }
0x98: {  	[tilespmem:s30+$0x1B700] =	vst v0;
	v0 =	vld [tilespmem:s30+$0x19720]  }
0x99: {  	v1 =	vld.idx.msk [tilespmem:v1+s5+$0x0], $0xffff;
	_ =	sdelay $0x4  }
0x9a: {  	[tilespmem:s30+$0x1B710] =	vst v1;
	v1 =	vld [tilespmem:s30+$0x19730];
	_ =	sdelay $0x1  }
0x9b: {  	v0 =	vld.idx.msk [tilespmem:v0+s5+$0x0], $0xffff;
	_ =	sdelay $0x4  }
0x9c: {  	[tilespmem:s30+$0x1B720] =	vst v0;
	v0 =	vld [tilespmem:s30+$0x19740]  }
0x9d: {  	v1 =	vld.idx.msk [tilespmem:v1+s5+$0x0], $0xffff;
	_ =	sdelay $0x4  }
0x9e: {  	[tilespmem:s30+$0x1B730] =	vst v1;
	v1 =	vld [tilespmem:s30+$0x19750];
	_ =	sdelay $0x1  }
0x9f: {  	v0 =	vld.idx.msk [tilespmem:v0+s5+$0x0], $0xffff;
	_ =	sdelay $0x4  }
0xa0: {  	[tilespmem:s30+$0x1B740] =	vst v0;
	v0 =	vld [tilespmem:s30+$0x19760]  }
0xa1: {  	v1 =	vld.idx.msk [tilespmem:v1+s5+$0x0], $0xffff;
	_ =	sdelay $0x4  }
0xa2: {  	[tilespmem:s30+$0x1B750] =	vst v1;
	v1 =	vld [tilespmem:s30+$0x19770];
	_ =	sdelay $0x1  }
0xa3: {  	v0 =	vld.idx.msk [tilespmem:v0+s5+$0x0], $0xffff;
	_ =	sdelay $0x4  }
0xa4: {  	[tilespmem:s30+$0x1B760] =	vst v0;
	v0 =	vld [tilespmem:s30+$0x19780]  }
0xa5: {  	v1 =	vld.idx.msk [tilespmem:v1+s5+$0x0], $0xffff;
	_ =	sdelay $0x4  }
0xa6: {  	[tilespmem:s30+$0x1B770] =	vst v1;
	v1 =	vld [tilespmem:s30+$0x19790];
	_ =	sdelay $0x1  }
0xa7: {  	v0 =	vld.idx.msk [tilespmem:v0+s5+$0x0], $0xffff;
	_ =	sdelay $0x4  }
0xa8: {  	[tilespmem:s30+$0x1B780] =	vst v0;
	v0 =	vld [tilespmem:s30+$0x197A0]  }
0xa9: {  	v1 =	vld.idx.msk [tilespmem:v1+s5+$0x0], $0xffff;
	_ =	sdelay $0x4  }
0xaa: {  	[tilespmem:s30+$0x1B790] =	vst v1;
	v1 =	vld [tilespmem:s30+$0x197B0];
	_ =	sdelay $0x1  }
0xab: {  	v0 =	vld.idx.msk [tilespmem:v0+s5+$0x0], $0xffff;
	_ =	sdelay $0x4  }
0xac: {  	[tilespmem:s30+$0x1B7A0] =	vst v0;
	v0 =	vld [tilespmem:s30+$0x197C0]  }
0xad: {  	v1 =	vld.idx.msk [tilespmem:v1+s5+$0x0], $0xffff;
	_ =	sdelay $0x4  }
0xae: {  	[tilespmem:s30+$0x1B7B0] =	vst v1;
	v1 =	vld [tilespmem:s30+$0x197D0];
	_ =	sdelay $0x1  }
0xaf: {  	v0 =	vld.idx.msk [tilespmem:v0+s5+$0x0], $0xffff;
	_ =	sdelay $0x4  }
0xb0: {  	v2 =	vld [tilespmem:s30+$0x197E0];
	[tilespmem:s30+$0x1B7C0] =	vst v0  }
0xb1: {  	v0 =	vld.idx.msk [tilespmem:v1+s5+$0x0], $0xffff;
	_ =	sdelay $0x4  }
0xb2: {  	[tilespmem:s30+$0x1B7D0] =	vst v0;
	v0 =	vld [tilespmem:s30+$0x197F0];
	_ =	sdelay $0x1  }
0xb3: {  	v1 =	vld.idx.msk [tilespmem:v2+s5+$0x0], $0xffff;
	_ =	sdelay $0x3  }
0xb4: {  	s31 =	simm.s32 $0x800;
	s0 =	simm.s32 $0x100  }
.LBB2_5:
0xb5: {  	p0 =	sne.s32 s31, $0x3C00;
	v2 =	vld [tilespmem:s0+$0x19700];
	[tilespmem:s30+$0x1B7E0] =	vst v1  }
0xb6: {  	v0 =	vld.idx.msk [tilespmem:v0+s5+$0x0], $0xffff;
	_ =	sdelay $0x5  }
0xb7: {  	v1 =	vld [tilespmem:s0+$0x19710];
	[tilespmem:s30+$0x1B7F0] =	vst v0;
	s30 =	smov.u32 s0  }
0xb8: {  	v0 =	vld.idx.msk [tilespmem:v2+s5+$0x0], $0xffff;
	_ =	sdelay $0x5  }
0xb9: {  	[tilespmem:s30+$0x1B700] =	vst v0;
	v0 =	vld [tilespmem:s30+$0x19720]  }
0xba: {  	v1 =	vld.idx.msk [tilespmem:v1+s5+$0x0], $0xffff;
	_ =	sdelay $0x5  }
0xbb: {  	[tilespmem:s30+$0x1B710] =	vst v1;
	v1 =	vld [tilespmem:s30+$0x19730]  }
0xbc: {  	v0 =	vld.idx.msk [tilespmem:v0+s5+$0x0], $0xffff;
	_ =	sdelay $0x5  }
0xbd: {  	[tilespmem:s30+$0x1B720] =	vst v0;
	v0 =	vld [tilespmem:s30+$0x19740]  }
0xbe: {  	v1 =	vld.idx.msk [tilespmem:v1+s5+$0x0], $0xffff;
	_ =	sdelay $0x5  }
0xbf: {  	[tilespmem:s30+$0x1B730] =	vst v1;
	v1 =	vld [tilespmem:s30+$0x19750]  }
0xc0: {  	v0 =	vld.idx.msk [tilespmem:v0+s5+$0x0], $0xffff;
	_ =	sdelay $0x5  }
0xc1: {  	[tilespmem:s30+$0x1B740] =	vst v0;
	v0 =	vld [tilespmem:s30+$0x19760]  }
0xc2: {  	v1 =	vld.idx.msk [tilespmem:v1+s5+$0x0], $0xffff;
	_ =	sdelay $0x5  }
0xc3: {  	[tilespmem:s30+$0x1B750] =	vst v1;
	v1 =	vld [tilespmem:s30+$0x19770]  }
0xc4: {  	v0 =	vld.idx.msk [tilespmem:v0+s5+$0x0], $0xffff;
	_ =	sdelay $0x5  }
0xc5: {  	[tilespmem:s30+$0x1B760] =	vst v0;
	v0 =	vld [tilespmem:s30+$0x19780]  }
0xc6: {  	v1 =	vld.idx.msk [tilespmem:v1+s5+$0x0], $0xffff;
	_ =	sdelay $0x5  }
0xc7: {  	[tilespmem:s30+$0x1B770] =	vst v1;
	v1 =	vld [tilespmem:s30+$0x19790]  }
0xc8: {  	v0 =	vld.idx.msk [tilespmem:v0+s5+$0x0], $0xffff;
	_ =	sdelay $0x5  }
0xc9: {  	[tilespmem:s30+$0x1B780] =	vst v0;
	v0 =	vld [tilespmem:s30+$0x197A0]  }
0xca: {  	v1 =	vld.idx.msk [tilespmem:v1+s5+$0x0], $0xffff;
	_ =	sdelay $0x5  }
0xcb: {  	[tilespmem:s30+$0x1B790] =	vst v1;
	v1 =	vld [tilespmem:s30+$0x197B0]  }
0xcc: {  	v0 =	vld.idx.msk [tilespmem:v0+s5+$0x0], $0xffff;
	_ =	sdelay $0x5  }
0xcd: {  	[tilespmem:s30+$0x1B7A0] =	vst v0;
	v0 =	vld [tilespmem:s30+$0x197C0]  }
0xce: {  	v1 =	vld.idx.msk [tilespmem:v1+s5+$0x0], $0xffff;
	_ =	sdelay $0x5  }
0xcf: {  	[tilespmem:s30+$0x1B7B0] =	vst v1;
	v1 =	vld [tilespmem:s30+$0x197D0]  }
0xd0: {  	v0 =	vld.idx.msk [tilespmem:v0+s5+$0x0], $0xffff;
	_ =	sdelay $0x5  }
0xd1: {  	[tilespmem:s30+$0x1B7C0] =	vst v0;
	v2 =	vld [tilespmem:s30+$0x197E0]  }
0xd2: {  	v0 =	vld.idx.msk [tilespmem:v1+s5+$0x0], $0xffff;
	_ =	sdelay $0x5  }
0xd3: {  	[tilespmem:s30+$0x1B7D0] =	vst v0;
	v0 =	vld [tilespmem:s30+$0x197F0]  }
0xd4: {  	v1 =	vld.idx.msk [tilespmem:v2+s5+$0x0], $0xffff  }
.Ltmp1:
0xd5: {  	(pc) =	sbr.rel @p0 .LBB2_5-.Ltmp1, $2  }
0xd6: {  	_ =	sdelay $0x2  }
0xd7: {  	s0 =	sshra.s32 s31, $0x2;
	s31 =	sadd.s32 $0x400, s31  }
0xd8: {  	_ =	sdelay $0x1  }
0xd9: {  	v2 =	vld [tilespmem:s0+$0x19700]  }
0xda: {  	[tilespmem:s30+$0x1B7E0] =	vst v1  }
0xdb: {  	v0 =	vld.idx.msk [tilespmem:v0+s5+$0x0], $0xffff;
	_ =	sdelay $0x3  }
0xdc: {  	v1 =	vld [tilespmem:s0+$0x19710]  }
0xdd: {  	[tilespmem:s30+$0x1B7F0] =	vst v0  }
0xde: {  	v0 =	vld.idx.msk [tilespmem:v2+s5+$0x0], $0xffff;
	_ =	sdelay $0x4  }
0xdf: {  	[tilespmem:s0+$0x1B700] =	vst v0;
	v0 =	vld [tilespmem:s0+$0x19720]  }
0xe0: {  	v1 =	vld.idx.msk [tilespmem:v1+s5+$0x0], $0xffff;
	_ =	sdelay $0x4  }
0xe1: {  	[tilespmem:s0+$0x1B710] =	vst v1;
	v1 =	vld [tilespmem:s0+$0x19730];
	_ =	sdelay $0x1  }
0xe2: {  	v0 =	vld.idx.msk [tilespmem:v0+s5+$0x0], $0xffff;
	_ =	sdelay $0x4  }
0xe3: {  	[tilespmem:s0+$0x1B720] =	vst v0;
	v0 =	vld [tilespmem:s0+$0x19740]  }
0xe4: {  	v1 =	vld.idx.msk [tilespmem:v1+s5+$0x0], $0xffff;
	_ =	sdelay $0x4  }
0xe5: {  	[tilespmem:s0+$0x1B730] =	vst v1;
	v1 =	vld [tilespmem:s0+$0x19750];
	_ =	sdelay $0x1  }
0xe6: {  	v0 =	vld.idx.msk [tilespmem:v0+s5+$0x0], $0xffff;
	_ =	sdelay $0x4  }
0xe7: {  	[tilespmem:s0+$0x1B740] =	vst v0;
	v0 =	vld [tilespmem:s0+$0x19760]  }
0xe8: {  	v1 =	vld.idx.msk [tilespmem:v1+s5+$0x0], $0xffff;
	_ =	sdelay $0x4  }
0xe9: {  	[tilespmem:s0+$0x1B750] =	vst v1;
	v1 =	vld [tilespmem:s0+$0x19770];
	_ =	sdelay $0x1  }
0xea: {  	v0 =	vld.idx.msk [tilespmem:v0+s5+$0x0], $0xffff;
	_ =	sdelay $0x4  }
0xeb: {  	[tilespmem:s0+$0x1B760] =	vst v0;
	v0 =	vld [tilespmem:s0+$0x19780]  }
0xec: {  	v1 =	vld.idx.msk [tilespmem:v1+s5+$0x0], $0xffff;
	_ =	sdelay $0x4  }
0xed: {  	[tilespmem:s0+$0x1B770] =	vst v1;
	v1 =	vld [tilespmem:s0+$0x19790];
	_ =	sdelay $0x1  }
0xee: {  	v0 =	vld.idx.msk [tilespmem:v0+s5+$0x0], $0xffff;
	_ =	sdelay $0x4  }
0xef: {  	[tilespmem:s0+$0x1B780] =	vst v0;
	v0 =	vld [tilespmem:s0+$0x197A0]  }
0xf0: {  	v1 =	vld.idx.msk [tilespmem:v1+s5+$0x0], $0xffff;
	_ =	sdelay $0x4  }
0xf1: {  	[tilespmem:s0+$0x1B790] =	vst v1;
	v1 =	vld [tilespmem:s0+$0x197B0];
	_ =	sdelay $0x1  }
0xf2: {  	v0 =	vld.idx.msk [tilespmem:v0+s5+$0x0], $0xffff;
	_ =	sdelay $0x4  }
0xf3: {  	[tilespmem:s0+$0x1B7A0] =	vst v0;
	v0 =	vld [tilespmem:s0+$0x197C0]  }
0xf4: {  	v1 =	vld.idx.msk [tilespmem:v1+s5+$0x0], $0xffff;
	_ =	sdelay $0x4  }
0xf5: {  	[tilespmem:s0+$0x1B7B0] =	vst v1;
	v1 =	vld [tilespmem:s0+$0x197D0];
	_ =	sdelay $0x1  }
0xf6: {  	v0 =	vld.idx.msk [tilespmem:v0+s5+$0x0], $0xffff;
	_ =	sdelay $0x4  }
0xf7: {  	[tilespmem:s0+$0x1B7C0] =	vst v0;
	v0 =	vld [tilespmem:s0+$0x197E0]  }
0xf8: {  	v1 =	vld.idx.msk [tilespmem:v1+s5+$0x0], $0xffff;
	_ =	sdelay $0x4  }
0xf9: {  	[tilespmem:s0+$0x1B7D0] =	vst v1;
	v1 =	vld [tilespmem:s0+$0x197F0];
	_ =	sdelay $0x1  }
0xfa: {  	v0 =	vld.idx.msk [tilespmem:v0+s5+$0x0], $0xffff;
	_ =	sdelay $0x4  }
0xfb: {  	[tilespmem:s0+$0x1B7E0] =	vst v0  }
0xfc: {  	v0 =	vld.idx.msk [tilespmem:v1+s5+$0x0], $0xffff;
	_ =	sdelay $0x4  }
0xfd: {  	s31 =	sadd.s32 s28, s9;
	[tilespmem:s0+$0x1B7F0] =	vst v0  }
0xfe: {  	[hbm4b:s31+s14] =	stream.strided.scatter [tilespmem:s22], [sflag:$0x4], $0x1000, s15, s14, $0x38;
	[tilespmem:$0x1C700] =	vst v63  }
0xff: {  	_ =	swait.ge [sflag:s18], $0x1000  }
0x100: {  	[sflag:s18] =	ssyncset.done $0x0  }
0x101: {  	s31 =	sadd.s32 s29, s10;
	[sflag:s18] =	ssyncadd.s32 $0xFFFFF000  }
0x102: {  	[tilespmem:s19], [sflag:$0x2] =	stream.strided.gather [hbm4b:s31+s14], $0x1000, s15, s14, $0x38;
	[tilespmem:$0x1C700] =	vst v63  }
0x103: {  	_ =	swait.ge [sflag:s23], $0x1000  }
0x104: {  	[sflag:s23] =	ssyncset.done $0x0  }
0x105: {  	s29 =	simm.s32 $0x0;
	[sflag:s23] =	ssyncadd.s32 $0xFFFFF000  }
0x106: {  	v0 =	vld [tilespmem:s29+$0x18700];
	_ =	sdelay $0x5  }
0x107: {  	v1 =	vld [tilespmem:s29+$0x18710];
	_ =	sdelay $0x1  }
0x108: {  	v0 =	vld.idx.msk [tilespmem:v0+s5+$0x0], $0xffff;
	_ =	sdelay $0x4  }
0x109: {  	[tilespmem:s29+$0x1A700] =	vst v0;
	v0 =	vld [tilespmem:s29+$0x18720]  }
0x10a: {  	v1 =	vld.idx.msk [tilespmem:v1+s5+$0x0], $0xffff;
	_ =	sdelay $0x4  }
0x10b: {  	[tilespmem:s29+$0x1A710] =	vst v1;
	v1 =	vld [tilespmem:s29+$0x18730];
	_ =	sdelay $0x1  }
0x10c: {  	v0 =	vld.idx.msk [tilespmem:v0+s5+$0x0], $0xffff;
	_ =	sdelay $0x4  }
0x10d: {  	[tilespmem:s29+$0x1A720] =	vst v0;
	v0 =	vld [tilespmem:s29+$0x18740]  }
0x10e: {  	v1 =	vld.idx.msk [tilespmem:v1+s5+$0x0], $0xffff;
	_ =	sdelay $0x4  }
0x10f: {  	[tilespmem:s29+$0x1A730] =	vst v1;
	v1 =	vld [tilespmem:s29+$0x18750];
	_ =	sdelay $0x1  }
0x110: {  	v0 =	vld.idx.msk [tilespmem:v0+s5+$0x0], $0xffff;
	_ =	sdelay $0x4  }
0x111: {  	[tilespmem:s29+$0x1A740] =	vst v0;
	v0 =	vld [tilespmem:s29+$0x18760]  }
0x112: {  	v1 =	vld.idx.msk [tilespmem:v1+s5+$0x0], $0xffff;
	_ =	sdelay $0x4  }
0x113: {  	[tilespmem:s29+$0x1A750] =	vst v1;
	v1 =	vld [tilespmem:s29+$0x18770];
	_ =	sdelay $0x1  }
0x114: {  	v0 =	vld.idx.msk [tilespmem:v0+s5+$0x0], $0xffff;
	_ =	sdelay $0x4  }
0x115: {  	[tilespmem:s29+$0x1A760] =	vst v0;
	v0 =	vld [tilespmem:s29+$0x18780]  }
0x116: {  	v1 =	vld.idx.msk [tilespmem:v1+s5+$0x0], $0xffff;
	_ =	sdelay $0x4  }
0x117: {  	[tilespmem:s29+$0x1A770] =	vst v1;
	v1 =	vld [tilespmem:s29+$0x18790];
	_ =	sdelay $0x1  }
0x118: {  	v0 =	vld.idx.msk [tilespmem:v0+s5+$0x0], $0xffff;
	_ =	sdelay $0x4  }
0x119: {  	[tilespmem:s29+$0x1A780] =	vst v0;
	v0 =	vld [tilespmem:s29+$0x187A0]  }
0x11a: {  	v1 =	vld.idx.msk [tilespmem:v1+s5+$0x0], $0xffff;
	_ =	sdelay $0x4  }
0x11b: {  	[tilespmem:s29+$0x1A790] =	vst v1;
	v1 =	vld [tilespmem:s29+$0x187B0];
	_ =	sdelay $0x1  }
0x11c: {  	v0 =	vld.idx.msk [tilespmem:v0+s5+$0x0], $0xffff;
	_ =	sdelay $0x4  }
0x11d: {  	[tilespmem:s29+$0x1A7A0] =	vst v0;
	v0 =	vld [tilespmem:s29+$0x187C0]  }
0x11e: {  	v1 =	vld.idx.msk [tilespmem:v1+s5+$0x0], $0xffff;
	_ =	sdelay $0x4  }
0x11f: {  	[tilespmem:s29+$0x1A7B0] =	vst v1;
	v1 =	vld [tilespmem:s29+$0x187D0];
	_ =	sdelay $0x1  }
0x120: {  	v0 =	vld.idx.msk [tilespmem:v0+s5+$0x0], $0xffff;
	_ =	sdelay $0x4  }
0x121: {  	v2 =	vld [tilespmem:s29+$0x187E0];
	[tilespmem:s29+$0x1A7C0] =	vst v0  }
0x122: {  	v0 =	vld.idx.msk [tilespmem:v1+s5+$0x0], $0xffff;
	_ =	sdelay $0x4  }
0x123: {  	[tilespmem:s29+$0x1A7D0] =	vst v0;
	v0 =	vld [tilespmem:s29+$0x187F0];
	_ =	sdelay $0x1  }
0x124: {  	v1 =	vld.idx.msk [tilespmem:v2+s5+$0x0], $0xffff;
	_ =	sdelay $0x3  }
0x125: {  	s30 =	simm.s32 $0x800;
	s0 =	simm.s32 $0x100  }
.LBB2_7:
0x126: {  	p0 =	sne.s32 s30, $0x3C00;
	v2 =	vld [tilespmem:s0+$0x18700];
	[tilespmem:s29+$0x1A7E0] =	vst v1  }
0x127: {  	v0 =	vld.idx.msk [tilespmem:v0+s5+$0x0], $0xffff;
	_ =	sdelay $0x5  }
0x128: {  	v1 =	vld [tilespmem:s0+$0x18710];
	[tilespmem:s29+$0x1A7F0] =	vst v0;
	s29 =	smov.u32 s0  }
0x129: {  	v0 =	vld.idx.msk [tilespmem:v2+s5+$0x0], $0xffff;
	_ =	sdelay $0x5  }
0x12a: {  	[tilespmem:s29+$0x1A700] =	vst v0;
	v0 =	vld [tilespmem:s29+$0x18720]  }
0x12b: {  	v1 =	vld.idx.msk [tilespmem:v1+s5+$0x0], $0xffff;
	_ =	sdelay $0x5  }
0x12c: {  	[tilespmem:s29+$0x1A710] =	vst v1;
	v1 =	vld [tilespmem:s29+$0x18730]  }
0x12d: {  	v0 =	vld.idx.msk [tilespmem:v0+s5+$0x0], $0xffff;
	_ =	sdelay $0x5  }
0x12e: {  	[tilespmem:s29+$0x1A720] =	vst v0;
	v0 =	vld [tilespmem:s29+$0x18740]  }
0x12f: {  	v1 =	vld.idx.msk [tilespmem:v1+s5+$0x0], $0xffff;
	_ =	sdelay $0x5  }
0x130: {  	[tilespmem:s29+$0x1A730] =	vst v1;
	v1 =	vld [tilespmem:s29+$0x18750]  }
0x131: {  	v0 =	vld.idx.msk [tilespmem:v0+s5+$0x0], $0xffff;
	_ =	sdelay $0x5  }
0x132: {  	[tilespmem:s29+$0x1A740] =	vst v0;
	v0 =	vld [tilespmem:s29+$0x18760]  }
0x133: {  	v1 =	vld.idx.msk [tilespmem:v1+s5+$0x0], $0xffff;
	_ =	sdelay $0x5  }
0x134: {  	[tilespmem:s29+$0x1A750] =	vst v1;
	v1 =	vld [tilespmem:s29+$0x18770]  }
0x135: {  	v0 =	vld.idx.msk [tilespmem:v0+s5+$0x0], $0xffff;
	_ =	sdelay $0x5  }
0x136: {  	[tilespmem:s29+$0x1A760] =	vst v0;
	v0 =	vld [tilespmem:s29+$0x18780]  }
0x137: {  	v1 =	vld.idx.msk [tilespmem:v1+s5+$0x0], $0xffff;
	_ =	sdelay $0x5  }
0x138: {  	[tilespmem:s29+$0x1A770] =	vst v1;
	v1 =	vld [tilespmem:s29+$0x18790]  }
0x139: {  	v0 =	vld.idx.msk [tilespmem:v0+s5+$0x0], $0xffff;
	_ =	sdelay $0x5  }
0x13a: {  	[tilespmem:s29+$0x1A780] =	vst v0;
	v0 =	vld [tilespmem:s29+$0x187A0]  }
0x13b: {  	v1 =	vld.idx.msk [tilespmem:v1+s5+$0x0], $0xffff;
	_ =	sdelay $0x5  }
0x13c: {  	[tilespmem:s29+$0x1A790] =	vst v1;
	v1 =	vld [tilespmem:s29+$0x187B0]  }
0x13d: {  	v0 =	vld.idx.msk [tilespmem:v0+s5+$0x0], $0xffff;
	_ =	sdelay $0x5  }
0x13e: {  	[tilespmem:s29+$0x1A7A0] =	vst v0;
	v0 =	vld [tilespmem:s29+$0x187C0]  }
0x13f: {  	v1 =	vld.idx.msk [tilespmem:v1+s5+$0x0], $0xffff;
	_ =	sdelay $0x5  }
0x140: {  	[tilespmem:s29+$0x1A7B0] =	vst v1;
	v1 =	vld [tilespmem:s29+$0x187D0]  }
0x141: {  	v0 =	vld.idx.msk [tilespmem:v0+s5+$0x0], $0xffff;
	_ =	sdelay $0x5  }
0x142: {  	[tilespmem:s29+$0x1A7C0] =	vst v0;
	v2 =	vld [tilespmem:s29+$0x187E0]  }
0x143: {  	v0 =	vld.idx.msk [tilespmem:v1+s5+$0x0], $0xffff;
	_ =	sdelay $0x5  }
0x144: {  	[tilespmem:s29+$0x1A7D0] =	vst v0;
	v0 =	vld [tilespmem:s29+$0x187F0]  }
0x145: {  	v1 =	vld.idx.msk [tilespmem:v2+s5+$0x0], $0xffff  }
.Ltmp2:
0x146: {  	(pc) =	sbr.rel @p0 .LBB2_7-.Ltmp2, $2  }
0x147: {  	_ =	sdelay $0x2  }
0x148: {  	s0 =	sshra.s32 s30, $0x2;
	s30 =	sadd.s32 $0x400, s30  }
0x149: {  	_ =	sdelay $0x1  }
0x14a: {  	v2 =	vld [tilespmem:s0+$0x18700]  }
0x14b: {  	[tilespmem:s29+$0x1A7E0] =	vst v1  }
0x14c: {  	v0 =	vld.idx.msk [tilespmem:v0+s5+$0x0], $0xffff;
	_ =	sdelay $0x3  }
0x14d: {  	v1 =	vld [tilespmem:s0+$0x18710]  }
0x14e: {  	[tilespmem:s29+$0x1A7F0] =	vst v0  }
0x14f: {  	v0 =	vld.idx.msk [tilespmem:v2+s5+$0x0], $0xffff;
	_ =	sdelay $0x4  }
0x150: {  	[tilespmem:s0+$0x1A700] =	vst v0;
	v0 =	vld [tilespmem:s0+$0x18720]  }
0x151: {  	v1 =	vld.idx.msk [tilespmem:v1+s5+$0x0], $0xffff;
	_ =	sdelay $0x4  }
0x152: {  	[tilespmem:s0+$0x1A710] =	vst v1;
	v1 =	vld [tilespmem:s0+$0x18730];
	_ =	sdelay $0x1  }
0x153: {  	v0 =	vld.idx.msk [tilespmem:v0+s5+$0x0], $0xffff;
	_ =	sdelay $0x4  }
0x154: {  	[tilespmem:s0+$0x1A720] =	vst v0;
	v0 =	vld [tilespmem:s0+$0x18740]  }
0x155: {  	v1 =	vld.idx.msk [tilespmem:v1+s5+$0x0], $0xffff;
	_ =	sdelay $0x4  }
0x156: {  	[tilespmem:s0+$0x1A730] =	vst v1;
	v1 =	vld [tilespmem:s0+$0x18750];
	_ =	sdelay $0x1  }
0x157: {  	v0 =	vld.idx.msk [tilespmem:v0+s5+$0x0], $0xffff;
	_ =	sdelay $0x4  }
0x158: {  	[tilespmem:s0+$0x1A740] =	vst v0;
	v0 =	vld [tilespmem:s0+$0x18760]  }
0x159: {  	v1 =	vld.idx.msk [tilespmem:v1+s5+$0x0], $0xffff;
	_ =	sdelay $0x4  }
0x15a: {  	[tilespmem:s0+$0x1A750] =	vst v1;
	v1 =	vld [tilespmem:s0+$0x18770];
	_ =	sdelay $0x1  }
0x15b: {  	v0 =	vld.idx.msk [tilespmem:v0+s5+$0x0], $0xffff;
	_ =	sdelay $0x4  }
0x15c: {  	[tilespmem:s0+$0x1A760] =	vst v0;
	v0 =	vld [tilespmem:s0+$0x18780]  }
0x15d: {  	v1 =	vld.idx.msk [tilespmem:v1+s5+$0x0], $0xffff;
	_ =	sdelay $0x4  }
0x15e: {  	[tilespmem:s0+$0x1A770] =	vst v1;
	v1 =	vld [tilespmem:s0+$0x18790];
	_ =	sdelay $0x1  }
0x15f: {  	v0 =	vld.idx.msk [tilespmem:v0+s5+$0x0], $0xffff;
	_ =	sdelay $0x4  }
0x160: {  	[tilespmem:s0+$0x1A780] =	vst v0;
	v0 =	vld [tilespmem:s0+$0x187A0]  }
0x161: {  	v1 =	vld.idx.msk [tilespmem:v1+s5+$0x0], $0xffff;
	_ =	sdelay $0x4  }
0x162: {  	[tilespmem:s0+$0x1A790] =	vst v1;
	v1 =	vld [tilespmem:s0+$0x187B0];
	_ =	sdelay $0x1  }
0x163: {  	v0 =	vld.idx.msk [tilespmem:v0+s5+$0x0], $0xffff;
	_ =	sdelay $0x4  }
0x164: {  	[tilespmem:s0+$0x1A7A0] =	vst v0;
	v0 =	vld [tilespmem:s0+$0x187C0]  }
0x165: {  	v1 =	vld.idx.msk [tilespmem:v1+s5+$0x0], $0xffff;
	_ =	sdelay $0x4  }
0x166: {  	[tilespmem:s0+$0x1A7B0] =	vst v1;
	v1 =	vld [tilespmem:s0+$0x187D0];
	_ =	sdelay $0x1  }
0x167: {  	v0 =	vld.idx.msk [tilespmem:v0+s5+$0x0], $0xffff;
	_ =	sdelay $0x4  }
0x168: {  	[tilespmem:s0+$0x1A7C0] =	vst v0;
	v0 =	vld [tilespmem:s0+$0x187E0]  }
0x169: {  	v1 =	vld.idx.msk [tilespmem:v1+s5+$0x0], $0xffff;
	_ =	sdelay $0x4  }
0x16a: {  	[tilespmem:s0+$0x1A7D0] =	vst v1;
	v1 =	vld [tilespmem:s0+$0x187F0];
	_ =	sdelay $0x1  }
0x16b: {  	v0 =	vld.idx.msk [tilespmem:v0+s5+$0x0], $0xffff;
	_ =	sdelay $0x4  }
0x16c: {  	[tilespmem:s0+$0x1A7E0] =	vst v0  }
0x16d: {  	v0 =	vld.idx.msk [tilespmem:v1+s5+$0x0], $0xffff;
	_ =	sdelay $0x4  }
0x16e: {  	s31 =	sadd.s32 s28, s11;
	[tilespmem:s0+$0x1A7F0] =	vst v0  }
0x16f: {  	[hbm4b:s31+s14] =	stream.strided.scatter [tilespmem:s20], [sflag:$0x3], $0x1000, s15, s14, $0x38;
	[tilespmem:$0x1C700] =	vst v63  }
0x170: {  	_ =	swait.ge [sflag:s21], $0x1000  }
0x171: {  	[sflag:s21] =	ssyncset.done $0x0  }
0x172: {  	[sflag:s21] =	ssyncadd.s32 $0xFFFFF000  }
0x173: {  	_ =	swait.ge [sflag:s24], $0x1000  }
0x174: {  	[sflag:s24] =	ssyncset.done $0x0  }
0x175: {  	s29 =	simm.s32 $0x0;
	[sflag:s24] =	ssyncadd.s32 $0xFFFFF000  }
0x176: {  	v0 =	vld [tilespmem:s29+$0x19700];
	_ =	sdelay $0x5  }
0x177: {  	v1 =	vld [tilespmem:s29+$0x19710];
	_ =	sdelay $0x1  }
0x178: {  	v0 =	vld.idx.msk [tilespmem:v0+s5+$0x0], $0xffff;
	_ =	sdelay $0x4  }
0x179: {  	[tilespmem:s29+$0x1B700] =	vst v0;
	v0 =	vld [tilespmem:s29+$0x19720]  }
0x17a: {  	v1 =	vld.idx.msk [tilespmem:v1+s5+$0x0], $0xffff;
	_ =	sdelay $0x4  }
0x17b: {  	[tilespmem:s29+$0x1B710] =	vst v1;
	v1 =	vld [tilespmem:s29+$0x19730];
	_ =	sdelay $0x1  }
0x17c: {  	v0 =	vld.idx.msk [tilespmem:v0+s5+$0x0], $0xffff;
	_ =	sdelay $0x4  }
0x17d: {  	[tilespmem:s29+$0x1B720] =	vst v0;
	v0 =	vld [tilespmem:s29+$0x19740]  }
0x17e: {  	v1 =	vld.idx.msk [tilespmem:v1+s5+$0x0], $0xffff;
	_ =	sdelay $0x4  }
0x17f: {  	[tilespmem:s29+$0x1B730] =	vst v1;
	v1 =	vld [tilespmem:s29+$0x19750];
	_ =	sdelay $0x1  }
0x180: {  	v0 =	vld.idx.msk [tilespmem:v0+s5+$0x0], $0xffff;
	_ =	sdelay $0x4  }
0x181: {  	[tilespmem:s29+$0x1B740] =	vst v0;
	v0 =	vld [tilespmem:s29+$0x19760]  }
0x182: {  	v1 =	vld.idx.msk [tilespmem:v1+s5+$0x0], $0xffff;
	_ =	sdelay $0x4  }
0x183: {  	[tilespmem:s29+$0x1B750] =	vst v1;
	v1 =	vld [tilespmem:s29+$0x19770];
	_ =	sdelay $0x1  }
0x184: {  	v0 =	vld.idx.msk [tilespmem:v0+s5+$0x0], $0xffff;
	_ =	sdelay $0x4  }
0x185: {  	[tilespmem:s29+$0x1B760] =	vst v0;
	v0 =	vld [tilespmem:s29+$0x19780]  }
0x186: {  	v1 =	vld.idx.msk [tilespmem:v1+s5+$0x0], $0xffff;
	_ =	sdelay $0x4  }
0x187: {  	[tilespmem:s29+$0x1B770] =	vst v1;
	v1 =	vld [tilespmem:s29+$0x19790];
	_ =	sdelay $0x1  }
0x188: {  	v0 =	vld.idx.msk [tilespmem:v0+s5+$0x0], $0xffff;
	_ =	sdelay $0x4  }
0x189: {  	[tilespmem:s29+$0x1B780] =	vst v0;
	v0 =	vld [tilespmem:s29+$0x197A0]  }
0x18a: {  	v1 =	vld.idx.msk [tilespmem:v1+s5+$0x0], $0xffff;
	_ =	sdelay $0x4  }
0x18b: {  	[tilespmem:s29+$0x1B790] =	vst v1;
	v1 =	vld [tilespmem:s29+$0x197B0];
	_ =	sdelay $0x1  }
0x18c: {  	v0 =	vld.idx.msk [tilespmem:v0+s5+$0x0], $0xffff;
	_ =	sdelay $0x4  }
0x18d: {  	[tilespmem:s29+$0x1B7A0] =	vst v0;
	v0 =	vld [tilespmem:s29+$0x197C0]  }
0x18e: {  	v1 =	vld.idx.msk [tilespmem:v1+s5+$0x0], $0xffff;
	_ =	sdelay $0x4  }
0x18f: {  	[tilespmem:s29+$0x1B7B0] =	vst v1;
	v1 =	vld [tilespmem:s29+$0x197D0];
	_ =	sdelay $0x1  }
0x190: {  	v0 =	vld.idx.msk [tilespmem:v0+s5+$0x0], $0xffff;
	_ =	sdelay $0x4  }
0x191: {  	v2 =	vld [tilespmem:s29+$0x197E0];
	[tilespmem:s29+$0x1B7C0] =	vst v0  }
0x192: {  	v0 =	vld.idx.msk [tilespmem:v1+s5+$0x0], $0xffff;
	_ =	sdelay $0x4  }
0x193: {  	[tilespmem:s29+$0x1B7D0] =	vst v0;
	v0 =	vld [tilespmem:s29+$0x197F0];
	_ =	sdelay $0x1  }
0x194: {  	v1 =	vld.idx.msk [tilespmem:v2+s5+$0x0], $0xffff;
	_ =	sdelay $0x3  }
0x195: {  	s30 =	simm.s32 $0x800;
	s0 =	simm.s32 $0x100  }
.LBB2_9:
0x196: {  	p0 =	sne.s32 s30, $0x3C00;
	v2 =	vld [tilespmem:s0+$0x19700];
	[tilespmem:s29+$0x1B7E0] =	vst v1  }
0x197: {  	v0 =	vld.idx.msk [tilespmem:v0+s5+$0x0], $0xffff;
	_ =	sdelay $0x5  }
0x198: {  	v1 =	vld [tilespmem:s0+$0x19710];
	[tilespmem:s29+$0x1B7F0] =	vst v0;
	s29 =	smov.u32 s0  }
0x199: {  	v0 =	vld.idx.msk [tilespmem:v2+s5+$0x0], $0xffff;
	_ =	sdelay $0x5  }
0x19a: {  	[tilespmem:s29+$0x1B700] =	vst v0;
	v0 =	vld [tilespmem:s29+$0x19720]  }
0x19b: {  	v1 =	vld.idx.msk [tilespmem:v1+s5+$0x0], $0xffff;
	_ =	sdelay $0x5  }
0x19c: {  	[tilespmem:s29+$0x1B710] =	vst v1;
	v1 =	vld [tilespmem:s29+$0x19730]  }
0x19d: {  	v0 =	vld.idx.msk [tilespmem:v0+s5+$0x0], $0xffff;
	_ =	sdelay $0x5  }
0x19e: {  	[tilespmem:s29+$0x1B720] =	vst v0;
	v0 =	vld [tilespmem:s29+$0x19740]  }
0x19f: {  	v1 =	vld.idx.msk [tilespmem:v1+s5+$0x0], $0xffff;
	_ =	sdelay $0x5  }
0x1a0: {  	[tilespmem:s29+$0x1B730] =	vst v1;
	v1 =	vld [tilespmem:s29+$0x19750]  }
0x1a1: {  	v0 =	vld.idx.msk [tilespmem:v0+s5+$0x0], $0xffff;
	_ =	sdelay $0x5  }
0x1a2: {  	[tilespmem:s29+$0x1B740] =	vst v0;
	v0 =	vld [tilespmem:s29+$0x19760]  }
0x1a3: {  	v1 =	vld.idx.msk [tilespmem:v1+s5+$0x0], $0xffff;
	_ =	sdelay $0x5  }
0x1a4: {  	[tilespmem:s29+$0x1B750] =	vst v1;
	v1 =	vld [tilespmem:s29+$0x19770]  }
0x1a5: {  	v0 =	vld.idx.msk [tilespmem:v0+s5+$0x0], $0xffff;
	_ =	sdelay $0x5  }
0x1a6: {  	[tilespmem:s29+$0x1B760] =	vst v0;
	v0 =	vld [tilespmem:s29+$0x19780]  }
0x1a7: {  	v1 =	vld.idx.msk [tilespmem:v1+s5+$0x0], $0xffff;
	_ =	sdelay $0x5  }
0x1a8: {  	[tilespmem:s29+$0x1B770] =	vst v1;
	v1 =	vld [tilespmem:s29+$0x19790]  }
0x1a9: {  	v0 =	vld.idx.msk [tilespmem:v0+s5+$0x0], $0xffff;
	_ =	sdelay $0x5  }
0x1aa: {  	[tilespmem:s29+$0x1B780] =	vst v0;
	v0 =	vld [tilespmem:s29+$0x197A0]  }
0x1ab: {  	v1 =	vld.idx.msk [tilespmem:v1+s5+$0x0], $0xffff;
	_ =	sdelay $0x5  }
0x1ac: {  	[tilespmem:s29+$0x1B790] =	vst v1;
	v1 =	vld [tilespmem:s29+$0x197B0]  }
0x1ad: {  	v0 =	vld.idx.msk [tilespmem:v0+s5+$0x0], $0xffff;
	_ =	sdelay $0x5  }
0x1ae: {  	[tilespmem:s29+$0x1B7A0] =	vst v0;
	v0 =	vld [tilespmem:s29+$0x197C0]  }
0x1af: {  	v1 =	vld.idx.msk [tilespmem:v1+s5+$0x0], $0xffff;
	_ =	sdelay $0x5  }
0x1b0: {  	[tilespmem:s29+$0x1B7B0] =	vst v1;
	v1 =	vld [tilespmem:s29+$0x197D0]  }
0x1b1: {  	v0 =	vld.idx.msk [tilespmem:v0+s5+$0x0], $0xffff;
	_ =	sdelay $0x5  }
0x1b2: {  	[tilespmem:s29+$0x1B7C0] =	vst v0;
	v2 =	vld [tilespmem:s29+$0x197E0]  }
0x1b3: {  	v0 =	vld.idx.msk [tilespmem:v1+s5+$0x0], $0xffff;
	_ =	sdelay $0x5  }
0x1b4: {  	[tilespmem:s29+$0x1B7D0] =	vst v0;
	v0 =	vld [tilespmem:s29+$0x197F0]  }
0x1b5: {  	v1 =	vld.idx.msk [tilespmem:v2+s5+$0x0], $0xffff  }
.Ltmp3:
0x1b6: {  	(pc) =	sbr.rel @p0 .LBB2_9-.Ltmp3, $2  }
0x1b7: {  	_ =	sdelay $0x2  }
0x1b8: {  	s0 =	sshra.s32 s30, $0x2;
	s30 =	sadd.s32 $0x400, s30  }
0x1b9: {  	_ =	sdelay $0x1  }
0x1ba: {  	v2 =	vld [tilespmem:s0+$0x19700]  }
0x1bb: {  	[tilespmem:s29+$0x1B7E0] =	vst v1  }
0x1bc: {  	v0 =	vld.idx.msk [tilespmem:v0+s5+$0x0], $0xffff;
	_ =	sdelay $0x3  }
0x1bd: {  	v1 =	vld [tilespmem:s0+$0x19710]  }
0x1be: {  	[tilespmem:s29+$0x1B7F0] =	vst v0  }
0x1bf: {  	v0 =	vld.idx.msk [tilespmem:v2+s5+$0x0], $0xffff;
	_ =	sdelay $0x3  }
0x1c0: {  	v50 =	vld [tilespmem:s0+$0x19720]  }
0x1c1: {  	[tilespmem:s0+$0x1B700] =	vst v0  }
0x1c2: {  	v1 =	vld.idx.msk [tilespmem:v1+s5+$0x0], $0xffff;
	_ =	sdelay $0x3  }
0x1c3: {  	v51 =	vld [tilespmem:s0+$0x19730]  }
0x1c4: {  	[tilespmem:s0+$0x1B710] =	vst v1  }
0x1c5: {  	v0 =	vld.idx.msk [tilespmem:v50+s5+$0x0], $0xffff;
	_ =	sdelay $0x3  }
0x1c6: {  	v52 =	vld [tilespmem:s0+$0x19740]  }
0x1c7: {  	[tilespmem:s0+$0x1B720] =	vst v0  }
0x1c8: {  	v1 =	vld.idx.msk [tilespmem:v51+s5+$0x0], $0xffff;
	_ =	sdelay $0x3  }
0x1c9: {  	v53 =	vld [tilespmem:s0+$0x19750]  }
0x1ca: {  	[tilespmem:s0+$0x1B730] =	vst v1  }
0x1cb: {  	v0 =	vld.idx.msk [tilespmem:v52+s5+$0x0], $0xffff;
	_ =	sdelay $0x3  }
0x1cc: {  	v54 =	vld [tilespmem:s0+$0x19760]  }
0x1cd: {  	[tilespmem:s0+$0x1B740] =	vst v0  }
0x1ce: {  	v1 =	vld.idx.msk [tilespmem:v53+s5+$0x0], $0xffff;
	_ =	sdelay $0x3  }
0x1cf: {  	v55 =	vld [tilespmem:s0+$0x19770]  }
0x1d0: {  	[tilespmem:s0+$0x1B750] =	vst v1  }
0x1d1: {  	v0 =	vld.idx.msk [tilespmem:v54+s5+$0x0], $0xffff;
	_ =	sdelay $0x3  }
0x1d2: {  	v56 =	vld [tilespmem:s0+$0x19780]  }
0x1d3: {  	[tilespmem:s0+$0x1B760] =	vst v0  }
0x1d4: {  	v1 =	vld.idx.msk [tilespmem:v55+s5+$0x0], $0xffff;
	_ =	sdelay $0x3  }
0x1d5: {  	v57 =	vld [tilespmem:s0+$0x19790]  }
0x1d6: {  	[tilespmem:s0+$0x1B770] =	vst v1  }
0x1d7: {  	v0 =	vld.idx.msk [tilespmem:v56+s5+$0x0], $0xffff;
	_ =	sdelay $0x3  }
0x1d8: {  	v58 =	vld [tilespmem:s0+$0x197A0]  }
0x1d9: {  	[tilespmem:s0+$0x1B780] =	vst v0  }
0x1da: {  	v1 =	vld.idx.msk [tilespmem:v57+s5+$0x0], $0xffff;
	_ =	sdelay $0x3  }
0x1db: {  	v59 =	vld [tilespmem:s0+$0x197B0]  }
0x1dc: {  	[tilespmem:s0+$0x1B790] =	vst v1  }
0x1dd: {  	v0 =	vld.idx.msk [tilespmem:v58+s5+$0x0], $0xffff;
	_ =	sdelay $0x3  }
0x1de: {  	v60 =	vld [tilespmem:s0+$0x197C0]  }
0x1df: {  	[tilespmem:s0+$0x1B7A0] =	vst v0  }
0x1e0: {  	v1 =	vld.idx.msk [tilespmem:v59+s5+$0x0], $0xffff;
	_ =	sdelay $0x3  }
0x1e1: {  	v61 =	vld [tilespmem:s0+$0x197D0]  }
0x1e2: {  	[tilespmem:s0+$0x1B7B0] =	vst v1  }
0x1e3: {  	v0 =	vld.idx.msk [tilespmem:v60+s5+$0x0], $0xffff;
	_ =	sdelay $0x3  }
0x1e4: {  	v62 =	vld [tilespmem:s0+$0x197E0]  }
0x1e5: {  	[tilespmem:s0+$0x1B7C0] =	vst v0  }
0x1e6: {  	v1 =	vld.idx.msk [tilespmem:v61+s5+$0x0], $0xffff;
	_ =	sdelay $0x3  }
0x1e7: {  	v63 =	vld [tilespmem:s0+$0x197F0]  }
0x1e8: {  	[tilespmem:s0+$0x1B7D0] =	vst v1  }
0x1e9: {  	v0 =	vld.idx.msk [tilespmem:v62+s5+$0x0], $0xffff;
	_ =	sdelay $0x4  }
0x1ea: {  	[tilespmem:s0+$0x1B7E0] =	vst v0  }
0x1eb: {  	v0 =	vld.idx.msk [tilespmem:v63+s5+$0x0], $0xffff;
	_ =	sdelay $0x4  }
0x1ec: {  	s31 =	sadd.s32 s28, s12;
	s26 =	sadd.s32 $0x1, s26;
	[tilespmem:s0+$0x1B7F0] =	vst v0  }
0x1ed: {  	[hbm4b:s31+s14] =	stream.strided.scatter [tilespmem:s22], [sflag:$0x4], $0x1000, s15, s14, $0x38;
	[tilespmem:$0x1C700] =	vst v63  }
0x1ee: {  	p0 =	sne.s32 s26, $0x1A;
	_ =	swait.ge [sflag:s23], $0x1000  }
.Ltmp4:
0x1ef: {  	[sflag:s23] =	ssyncset.done $0x0;
	(pc) =	sbr.rel @p0 .LBB2_2-.Ltmp4, $4  }
0x1f0: {  	[sflag:s23] =	ssyncadd.s32 $0xFFFFF000  }
0x1f1: {  	_ =	swait.ge [sflag:s24], $0x1000  }
0x1f2: {  	[sflag:s24] =	ssyncset.done $0x0  }
0x1f3: {  	[sflag:s24] =	ssyncadd.s32 $0xFFFFF000  }
0x1f4: {  	s25 =	sadd.s32 $0x1, s25  }
0x1f5: {  	p0 =	sne.s32 s25, s13  }
.Ltmp5:
0x1f6: {  	_ = 	snop;
	(pc) =	sbr.rel @p0 .LBB2_1-.Ltmp5, $1  }
0x1f7: {  	_ =	sdelay $0x3  }
0x1f8: {  	_ =	sfence.sel $0x180000  }
0x1f9: {  	[bflag:$0x0] =	sbarrier.arrive $0xFFFF  }
0x1fa: {  	_ =	strace $0x90000047  }
0x1fb: {  	[bflag:$0x2] =	sbarrier.arrive $0xFFFF  }
0x1fc: {  	p0 =	sne.s32 s3, $0x0;
	s0 =	rddreg [dreg:$0x3]  }
0x1fd: {  	s0 =	sadd.s32 @!p0 $0x100000, s0  }
0x1fe: {  	[sflag:s0] =	ssyncadd.tile.s32 @!p0 $0x1;
	_ =	shalt  }
.Lfunc_end2:
_tile_overlayer_lowered:
.L_overlay_start_2:
0x1ff: {  	(tag) =	ssettag $0x2  }
0x200: {  	s0 =	rddreg [dreg:$0x0];
	s2 =	stileid.u32  }
0x201: {  	s1 =	rddreg [dreg:$0x1];
	p0 =	sne.s32 s2, $0x0  }
0x202: {  	s3 =	rddreg [dreg:$0x2];
	[bflag:$0x3] =	sbarrier.arrive $0xFFFF;
	s2 =	simm.s32 @!p0 $0x1C05  }
0x203: {  	[timem:s3], [sflag:s2] =	dma.local @!p0 [hbm:s0], s1  }
0x204: {  	s0 =	simm.s32 @!p0 $0x5  }
0x205: {  	_ =	swait.ge @!p0 [sflag:s0], s1  }
0x206: {  	s1 =	ssub.s32 @!p0 $0x0, s1;
	[sflag:s0] =	ssyncset.done @!p0 $0x0  }
0x207: {  	[sflag:s0] =	ssyncadd.s32 @!p0 s1  }
0x208: {  	[bflag:$0x3] =	sbarrier.arrive $0xFFFF  }
0x209: {  	_ =	shalt  }

</sc_bundles>
